<compile_context>
chip_gen: v7x
topology: tpu7x:2x2x1
jax: 0.10.2.dev20260603
libtpu: 0.0.44.dev20260713+nightly
codegen_flags: <defaults>
</compile_context>

<pallas_src>
import functools

import jax
import jax.numpy as jnp
from jax import lax
from jax.experimental import pallas as pl
from jax.experimental.pallas import tpu as pltpu
from jax.experimental.pallas import tpu_sc as plsc

N = 4096
E = 131072
D = 256
ED = 16

NW = 32
EPW = E // NW
IDX_ROWS = EPW // 128
NSUB = 16
ROWS_PER_SUB = N // NSUB


AWR = 17
CHUNK = 512
NCHUNK = EPW // CHUNK


def _sc_scatter_body(src_hbm, ewt_hbm, z_hbm, acc_out,
                     idx_v, ewt_v, acc_v):
    cid = lax.axis_index("c")
    sid = lax.axis_index("s")
    wid = cid * NSUB + sid

    pltpu.sync_copy(z_hbm, acc_v)
    pltpu.sync_copy(src_hbm.at[pl.ds(wid * EPW, EPW)], idx_v)

    def _chunk(k, _):
        pltpu.sync_copy(
            ewt_hbm.at[pl.ds((wid * NCHUNK + k) * AWR * CHUNK, AWR * CHUNK)],
            ewt_v)

        def _grp(g, _):
            idx16 = idx_v[pl.ds(k * CHUNK + g * 16, 16)]
            for c in range(AWR):
                plsc.addupdate_scatter(acc_v.at[pl.ds(c * N, N)], [idx16],
                                       ewt_v[pl.ds(c * CHUNK + g * 16, 16)])
            return 0

        lax.fori_loop(0, CHUNK // 16, _grp, 0)
        return 0

    lax.fori_loop(0, NCHUNK, _chunk, 0)
    pltpu.sync_copy(acc_v, acc_out.at[pl.ds(wid * AWR * N, AWR * N)])


def _sc_scatter(src1d, ewt_flat, zeros_cm):
    mesh = plsc.VectorSubcoreMesh(core_axis_name="c", subcore_axis_name="s")
    k = pl.kernel(
        _sc_scatter_body,
        mesh=mesh,
        out_type=jax.ShapeDtypeStruct((NW * AWR * N,), jnp.float32),
        scratch_types=[
            pltpu.VMEM((EPW,), jnp.int32),
            pltpu.VMEM((AWR * CHUNK,), jnp.float32),
            pltpu.VMEM((AWR * N,), jnp.float32),
        ],
        compiler_params=pltpu.CompilerParams(needs_layout_passes=False),
    )
    return k(src1d, ewt_flat, zeros_cm)


def _sc_rsrc_body(r_hbm, src_hbm, out_hbm, r_v, idx_v, rs_v):
    cid = lax.axis_index("c")
    sid = lax.axis_index("s")
    wid = cid * NSUB + sid
    pltpu.sync_copy(r_hbm, r_v)
    pltpu.sync_copy(src_hbm.at[pl.ds(wid * EPW, EPW)], idx_v)

    def _g(i, _):
        idx = idx_v[pl.ds(i * 16, 16)]
        rs_v[pl.ds(i * 16, 16)] = plsc.load_gather(r_v, [idx])
        return 0

    lax.fori_loop(0, EPW // 16, _g, 0)
    pltpu.sync_copy(rs_v, out_hbm.at[pl.ds(wid * EPW, EPW)])


def _sc_rsrc(r1d, src1d):
    mesh = plsc.VectorSubcoreMesh(core_axis_name="c", subcore_axis_name="s")
    k = pl.kernel(
        _sc_rsrc_body,
        mesh=mesh,
        out_type=jax.ShapeDtypeStruct((E,), jnp.float32),
        scratch_types=[
            pltpu.VMEM((N,), jnp.float32),
            pltpu.VMEM((EPW,), jnp.int32),
            pltpu.VMEM((EPW,), jnp.float32),
        ],
        compiler_params=pltpu.CompilerParams(needs_layout_passes=False),
    )
    return k(r1d, src1d)


NI = 16
BI = N // NI


def _pre_body(x_ref, w0_ref, wseg_ref, b0_ref, bw0d_ref, w1_ref,
              acc_ref,
              u_ref, v_ref, r_ref, q_ref, sew_ref, srs_ref):
    i = pl.program_id(0)
    accs = jnp.sum(acc_ref[...], axis=0)
    ra = lax.broadcasted_iota(jnp.int32, (BI, BI), 0)
    ca = lax.broadcasted_iota(jnp.int32, (BI, BI), 1)
    ident = jnp.where(ra == ca, 1.0, 0.0)
    seg = lax.dot_general(ident, accs[0:ED, :], (((1,), (1,)), ((), ())),
                          preferred_element_type=jnp.float32)
    cnt = lax.dot_general(ident, accs[ED:ED + 1, :], (((1,), (1,)), ((), ())),
                          preferred_element_type=jnp.float32)
    out0 = lax.dot_general(x_ref[...], w0_ref[...],
                           (((1,), (1,)), ((), ())),
                           preferred_element_type=jnp.float32)
    out0 = out0 + lax.dot_general(seg, wseg_ref[...],
                                  (((1,), (1,)), ((), ())),
                                  preferred_element_type=jnp.float32)
    out0 = out0 + b0_ref[...] + cnt * bw0d_ref[...]
    r = jnp.sum(out0, axis=1, keepdims=True)
    r_ref[...] = r
    nrm = jax.lax.rsqrt(jnp.sum(out0 * out0, axis=1, keepdims=True))
    u_ref[...] = out0 * nrm
    v_ref[...] = lax.dot_general(out0, w1_ref[...],
                                 (((1,), (1,)), ((), ())),
                                 preferred_element_type=jnp.float32)

    @pl.when(i == 0)
    def _():
        q_ref[...] = jnp.zeros_like(q_ref)
        sew_ref[...] = jnp.zeros_like(sew_ref)
        srs_ref[...] = jnp.zeros_like(srs_ref)

    q_ref[...] += lax.dot_general(r, seg, (((0,), (0,)), ((), ())),
                                  preferred_element_type=jnp.float32)
    ones_row = jnp.ones((1, BI), jnp.float32)
    sew_ref[...] += lax.dot_general(ones_row, seg, (((1,), (0,)), ((), ())),
                                    preferred_element_type=jnp.float32)
    sr = lax.dot_general(cnt, r, (((0,), (0,)), ((), ())),
                         preferred_element_type=jnp.float32)
    srr = lax.dot_general(cnt, r * r, (((0,), (0,)), ((), ())),
                          preferred_element_type=jnp.float32)
    lane = lax.broadcasted_iota(jnp.int32, (1, ED), 1)
    srs_ref[...] += (jnp.where(lane == 0, sr, 0.0)
                     + jnp.where(lane == 1, srr, 0.0))


def _pre(x, W0, Wseg, b0r, bw0d, W1, acc_part, interpret=False):
    two16 = pl.BlockSpec((1, ED), lambda i: (0, 0))
    return pl.pallas_call(
        _pre_body,
        grid=(NI,),
        in_specs=[
            pl.BlockSpec((BI, D), lambda i: (i, 0)),
            pl.BlockSpec((D, D), lambda i: (0, 0)),
            pl.BlockSpec((D, ED), lambda i: (0, 0)),
            pl.BlockSpec((1, D), lambda i: (0, 0)),
            pl.BlockSpec((1, D), lambda i: (0, 0)),
            pl.BlockSpec((D, D), lambda i: (0, 0)),
            pl.BlockSpec((NW, AWR, BI), lambda i: (0, 0, i)),
        ],
        out_specs=[
            pl.BlockSpec((BI, D), lambda i: (i, 0)),
            pl.BlockSpec((BI, D), lambda i: (i, 0)),
            pl.BlockSpec((BI, 1), lambda i: (i, 0)),
            two16, two16, two16,
        ],
        out_shape=[
            jax.ShapeDtypeStruct((N, D), jnp.float32),
            jax.ShapeDtypeStruct((N, D), jnp.float32),
            jax.ShapeDtypeStruct((N, 1), jnp.float32),
            jax.ShapeDtypeStruct((1, ED), jnp.float32),
            jax.ShapeDtypeStruct((1, ED), jnp.float32),
            jax.ShapeDtypeStruct((1, ED), jnp.float32),
        ],
        compiler_params=pltpu.CompilerParams(
            dimension_semantics=("arbitrary",)),
        interpret=interpret,
    )(x, W0, Wseg, b0r, bw0d, W1, acc_part)


EBLK = 4096
NEB = E // EBLK


def _gram_body(ew_ref, g_ref):
    @pl.when(pl.program_id(0) == 0)
    def _():
        g_ref[...] = jnp.zeros_like(g_ref)

    blk = ew_ref[...]
    g_ref[...] += lax.dot_general(blk, blk, (((0,), (0,)), ((), ())),
                                  preferred_element_type=jnp.float32)


def _gram(edge_weight, interpret=False):
    return pl.pallas_call(
        _gram_body,
        grid=(NEB,),
        in_specs=[pl.BlockSpec((EBLK, ED), lambda i: (i, 0))],
        out_specs=pl.BlockSpec((ED, ED), lambda i: (0, 0)),
        out_shape=jax.ShapeDtypeStruct((ED, ED), jnp.float32),
        compiler_params=pltpu.CompilerParams(
            dimension_semantics=("arbitrary",)),
        interpret=interpret,
    )(edge_weight)


def _wout_body(ew_ref, m_ref, rs_ref, c_ref, v_ref, o_ref):
    o_ref[...] = (lax.dot_general(ew_ref[...], m_ref[...],
                                  (((1,), (0,)), ((), ())),
                                  preferred_element_type=jnp.float32)
                  + c_ref[...] + rs_ref[...] * v_ref[...])


def _wout(edge_weight, M, rsrc, c2, v2, interpret=False):
    return pl.pallas_call(
        _wout_body,
        grid=(NEB,),
        in_specs=[
            pl.BlockSpec((EBLK, ED), lambda i: (i, 0)),
            pl.BlockSpec((ED, ED), lambda i: (0, 0)),
            pl.BlockSpec((EBLK, 1), lambda i: (i, 0)),
            pl.BlockSpec((1, ED), lambda i: (0, 0)),
            pl.BlockSpec((1, ED), lambda i: (0, 0)),
        ],
        out_specs=pl.BlockSpec((EBLK, ED), lambda i: (i, 0)),
        out_shape=jax.ShapeDtypeStruct((E, ED), jnp.float32),
        compiler_params=pltpu.CompilerParams(
            dimension_semantics=("parallel",)),
        interpret=interpret,
    )(edge_weight, M, rsrc, c2, v2)


NJ = 16
BJ = N // NJ


def _attn_body(ui_ref, uj_ref, vj_ref, b1_ref, o_ref, acc_ref, den_ref):
    i = pl.program_id(0)
    j = pl.program_id(1)

    @pl.when(j == 0)
    def _():
        acc_ref[...] = jnp.zeros_like(acc_ref)
        den_ref[...] = jnp.zeros_like(den_ref)

    s = lax.dot_general(ui_ref[...], uj_ref[...], (((1,), (1,)), ((), ())),
                        preferred_element_type=jnp.float32)
    ra = lax.broadcasted_iota(jnp.int32, (BI, BJ), 0)
    ca = lax.broadcasted_iota(jnp.int32, (BI, BJ), 1)
    diag = jnp.where((ra == ca) & (i == j), 1.0, 0.0)
    e = jnp.exp(s - diag)
    den_ref[:, 0:1] += jnp.sum(e, axis=1, keepdims=True)
    acc_ref[...] += lax.dot_general(e, vj_ref[...], (((1,), (0,)), ((), ())),
                                    preferred_element_type=jnp.float32)

    @pl.when(j == NJ - 1)
    def _():
        o_ref[...] = acc_ref[...] / den_ref[:, 0:1] + b1_ref[...]


def _attn(u, V, b1r, interpret=False):
    return pl.pallas_call(
        _attn_body,
        grid=(NI, NJ),
        in_specs=[
            pl.BlockSpec((BI, D), lambda i, j: (i, 0)),
            pl.BlockSpec((BJ, D), lambda i, j: (j, 0)),
            pl.BlockSpec((BJ, D), lambda i, j: (j, 0)),
            pl.BlockSpec((1, D), lambda i, j: (0, 0)),
        ],
        out_specs=pl.BlockSpec((BI, D), lambda i, j: (i, 0)),
        out_shape=jax.ShapeDtypeStruct((N, D), jnp.float32),
        scratch_shapes=[
            pltpu.VMEM((BI, D), jnp.float32),
            pltpu.VMEM((BI, 128), jnp.float32),
        ],
        compiler_params=pltpu.CompilerParams(
            dimension_semantics=("arbitrary", "arbitrary")),
        interpret=interpret,
    )(u, u, V, b1r)


def kernel(x, edge_index, edge_weight, W0, b0, Ww0, bw0, W1, b1, Ww1, bw1,
           gamma, beta, damping):
    d = damping.astype(jnp.float32)
    src1d = edge_index[0]
    ew_aug = jnp.concatenate(
        [edge_weight, jnp.ones((E, 1), jnp.float32)], axis=1)
    ewt_flat = (ew_aug.reshape(NW, NCHUNK, CHUNK, AWR)
                .transpose(0, 1, 3, 2)
                .reshape(NW * NCHUNK * AWR * CHUNK))

    acc_flat = _sc_scatter(src1d, ewt_flat,
                           jnp.zeros((AWR * N,), jnp.float32))
    acc_part = acc_flat.reshape(NW, AWR, N)

    u, V, r, q, sew, srs = _pre(x, W0, d * Ww0, b0.reshape(1, D),
                                (d * bw0).reshape(1, D), W1, acc_part)
    G = _gram(edge_weight)

    Sew = sew[0]
    qv = q[0]
    Sr = srs[0, 0]
    Srr = srs[0, 1]
    Sa = Sew @ Ww0.T + E * bw0
    mean = (Sa + d * Sr) / E
    Saa = jnp.einsum('jk,kl,jl->j', Ww0, G, Ww0) + 2 * bw0 * (Ww0 @ Sew) \
        + E * bw0 ** 2
    Sar = Ww0 @ qv + bw0 * Sr
    Sww = Saa + 2 * d * Sar + d * d * Srr
    var = Sww / E - mean ** 2
    s = gamma * jax.lax.rsqrt(var + 1e-5)
    t = beta - mean * s
    M = Ww0.T @ (s[:, None] * Ww1.T)
    c = (bw0 * s + t) @ Ww1.T + bw1
    v = d * (s @ Ww1.T)

    rsrc = _sc_rsrc(r.reshape(N), edge_index[0])
    out_w = _wout(edge_weight, M, rsrc.reshape(E, 1),
                  c.reshape(1, ED), v.reshape(1, ED))
    out1 = _attn(u, V, b1.reshape(1, D))
    return (out1, out_w)

# --- scband reference (transcript-rebuilt; emitter-appended) ---
"""Pipeline reference for scband-intersection-76295799046217 (READ-ONLY COPY).

The authoritative reference and input builder live on the scoring server;
editing this copy changes nothing except your own understanding.
"""

import jax, jax.numpy as jnp
import numpy as np

N = 4096
E = 131072
VERTEX_DIM = 256
EDGE_DIM = 16
HID_DIM = 256


def setup_inputs(seed: int = 0) -> dict:
    key = jax.random.key(seed)
    ks = jax.random.split(key, 12)
    x = jax.random.normal(ks[0], (N, VERTEX_DIM), dtype=jnp.float32)
    edge_index = jax.random.randint(ks[1], (2, E), 0, N, dtype=jnp.int32)
    edge_weight = jax.random.normal(ks[2], (E, EDGE_DIM), dtype=jnp.float32)
    # nn.Linear params: W has shape [out, in], y = x @ W.T + b
    W0 = jax.random.normal(ks[3], (HID_DIM, VERTEX_DIM), dtype=jnp.float32) / np.sqrt(VERTEX_DIM)
    b0 = jax.random.normal(ks[4], (HID_DIM,), dtype=jnp.float32) * 0.01
    Ww0 = jax.random.normal(ks[5], (HID_DIM, EDGE_DIM), dtype=jnp.float32) / np.sqrt(EDGE_DIM)
    bw0 = jax.random.normal(ks[6], (HID_DIM,), dtype=jnp.float32) * 0.01
    W1 = jax.random.normal(ks[7], (VERTEX_DIM, HID_DIM), dtype=jnp.float32) / np.sqrt(HID_DIM)
    b1 = jax.random.normal(ks[8], (VERTEX_DIM,), dtype=jnp.float32) * 0.01
    Ww1 = jax.random.normal(ks[9], (EDGE_DIM, HID_DIM), dtype=jnp.float32) / np.sqrt(HID_DIM)
    bw1 = jax.random.normal(ks[10], (EDGE_DIM,), dtype=jnp.float32) * 0.01
    gamma = jnp.ones((HID_DIM,), dtype=jnp.float32)
    beta = jnp.zeros((HID_DIM,), dtype=jnp.float32)
    damping = jnp.float32(0.45)
    return {"x": x, "edge_index": edge_index, "edge_weight": edge_weight,
            "W0": W0, "b0": b0, "Ww0": Ww0, "bw0": bw0,
            "W1": W1, "b1": b1, "Ww1": Ww1, "bw1": bw1,
            "gamma": gamma, "beta": beta, "damping": damping}


def reference(x, edge_index, edge_weight, W0, b0, Ww0, bw0, W1, b1, Ww1, bw1, gamma, beta, damping=0.45):
    n = x.shape[0]
    out = x @ W0.T + b0                       # layer0
    w = edge_weight @ Ww0.T + bw0             # w_0
    src = edge_index[0]
    # Vectorized form of the per-node python loop (edge groups are disjoint per i,
    # and the w-update at step i only reads out[i] updated within the same step):
    #   out[i] += damping * sum_{e: src[e]==i} w[e]
    #   w[e]   += damping * sum_j out_new[src[e], j]
    seg = jax.ops.segment_sum(w, src, num_segments=n)
    out = out + damping * seg
    row_sums = jnp.sum(out, axis=1)
    w = w + damping * row_sums[src][:, None]
    # _cauchy_selector: cosine similarity minus identity, then row softmax
    base = jnp.sqrt(jnp.sum(out ** 2, axis=1, keepdims=True))
    sim = (out @ out.T) / (base @ base.T) - jnp.eye(n, dtype=out.dtype)
    out_ = jax.nn.softmax(sim, axis=1)
    out = out_ @ out
    # BatchNorm1d in training mode: batch statistics (biased variance), eps=1e-5
    mean = jnp.mean(w, axis=0)
    var = jnp.var(w, axis=0)
    w = (w - mean) / jnp.sqrt(var + 1e-5) * gamma + beta
    return (out @ W1.T + b1, w @ Ww1.T + bw1)

if __name__ == "__main__":
    import jax
    _d = setup_inputs()
    print(jax.jit(kernel)(*tuple(_d.values())))

</pallas_src>

<mosaic_0001>
#map = affine_map<(d0, d1) -> (0)>
module attributes {stable_mosaic.version = 14 : i64} {
  func.func @_sc_rsrc_body(%arg0: i32, %arg1: i32, %arg2: memref<4096xf32, #tpu.memory_space<hbm>>, %arg3: memref<131072xi32, #tpu.memory_space<hbm>>, %arg4: memref<131072xf32, #tpu.memory_space<hbm>>, %arg5: memref<4096xf32, #tpu.memory_space<vmem>>, %arg6: memref<4096xi32, #tpu.memory_space<vmem>>, %arg7: memref<4096xf32, #tpu.memory_space<vmem>>) attributes {dimension_semantics = [#tpu.dimension_semantics<core_parallel>, #tpu.dimension_semantics<subcore_parallel>], iteration_bounds = array<i64: 2, 16>, scalar_prefetch = 0 : i64, scratch_operands = 3 : i64, tpu.core_type = #tpu.core_type<sc_vector_subcore>, window_params = [{transform_indices = #map}, {transform_indices = #map}, {transform_indices = #map}]} {
    %mul3A = arith.constant 16 : i32
    %mul3A_0 = arith.muli %arg0, %mul3A : i32
    %add3A = arith.addi %mul3A_0, %arg1 : i32
    "tpu.region"() ({
      %run_scoped3A = tpu.sem_alloc : memref<!tpu.dma_semaphore, #tpu.memory_space<semaphore_mem>>
      tpu.enqueue_dma source(%arg2 : memref<4096xf32, #tpu.memory_space<hbm>>) target(%arg5 : memref<4096xf32, #tpu.memory_space<vmem>>) target_semaphore(%run_scoped3A : memref<!tpu.dma_semaphore, #tpu.memory_space<semaphore_mem>>)
      tpu.wait_dma2 semaphore(%run_scoped3A : memref<!tpu.dma_semaphore, #tpu.memory_space<semaphore_mem>>) src(%arg2 : memref<4096xf32, #tpu.memory_space<hbm>>) dst(%arg5 : memref<4096xf32, #tpu.memory_space<vmem>>)
      tpu.yield
    }) : () -> ()
    %mul3A_1 = arith.constant 4096 : i32
    %mul3A_2 = arith.muli %add3A, %mul3A_1 : i32
    "tpu.region"() ({
      %run_scoped3A = tpu.sem_alloc : memref<!tpu.dma_semaphore, #tpu.memory_space<semaphore_mem>>
      %dma_start3A = tpu.memref_slice %arg3[%mul3A_2] : memref<131072xi32, #tpu.memory_space<hbm>> -> memref<4096xi32, #tpu.memory_space<hbm>>
      %dma_start3A_11 = tpu.memref_slice %arg3[%mul3A_2] : memref<131072xi32, #tpu.memory_space<hbm>> -> memref<4096xi32, #tpu.memory_space<hbm>>
      tpu.enqueue_dma source(%dma_start3A_11 : memref<4096xi32, #tpu.memory_space<hbm>>) target(%arg6 : memref<4096xi32, #tpu.memory_space<vmem>>) target_semaphore(%run_scoped3A : memref<!tpu.dma_semaphore, #tpu.memory_space<semaphore_mem>>)
      %dma_wait3A = tpu.memref_slice %arg3[%mul3A_2] : memref<131072xi32, #tpu.memory_space<hbm>> -> memref<4096xi32, #tpu.memory_space<hbm>>
      %dma_wait3A_12 = tpu.memref_slice %arg3[%mul3A_2] : memref<131072xi32, #tpu.memory_space<hbm>> -> memref<4096xi32, #tpu.memory_space<hbm>>
      tpu.wait_dma2 semaphore(%run_scoped3A : memref<!tpu.dma_semaphore, #tpu.memory_space<semaphore_mem>>) src(%dma_wait3A_12 : memref<4096xi32, #tpu.memory_space<hbm>>) dst(%arg6 : memref<4096xi32, #tpu.memory_space<vmem>>)
      tpu.yield
    }) : () -> ()
    %scan3A = arith.constant 0 : i32
    %scan3A_3 = arith.constant 0 : i32
    %scan3A_4 = arith.constant 256 : i32
    %scan3A_5 = arith.addi %scan3A_3, %scan3A_4 : i32
    %scan3A_6 = arith.constant 1 : i32
    %scan3A_7 = scf.for %scan3A_11 = %scan3A_3 to %scan3A_5 step %scan3A_6 iter_args(%scan3A_12 = %scan3A) -> (i32)  : i32 {
      %mul3A_13 = arith.constant 16 : i32
      %mul3A_14 = arith.muli %scan3A_11, %mul3A_13 : i32
      %get3A = arith.index_cast %mul3A_14 : i32 to index
      %get3A_15 = tpu.vector_load %arg6[%get3A] {strides = array<i32>} : memref<4096xi32, #tpu.memory_space<vmem>>, vector<16xi32>,
      %gather3A = tpu.vector_load_idx %arg5[%get3A_15] : memref<4096xf32, #tpu.memory_space<vmem>>[vector<16xi32>], vector<16xf32>,
      %mul3A_16 = arith.constant 16 : i32
      %mul3A_17 = arith.muli %scan3A_11, %mul3A_16 : i32
      %swap3A = arith.index_cast %mul3A_17 : i32 to index
      %swap3A_18 = tpu.vector_load %arg7[%swap3A] {strides = array<i32>} : memref<4096xf32, #tpu.memory_space<vmem>>, vector<16xf32>,
      tpu.vector_store %arg7[%swap3A], %gather3A {strides = array<i32>} : memref<4096xf32, #tpu.memory_space<vmem>>, vector<16xf32>,
      %scan3A_19 = arith.constant 0 : i32
      scf.yield %scan3A_19 : i32
    }
    %scan3A_8 = arith.constant 256 : i32
    %mul3A_9 = arith.constant 4096 : i32
    %mul3A_10 = arith.muli %add3A, %mul3A_9 : i32
    "tpu.region"() ({
      %run_scoped3A = tpu.sem_alloc : memref<!tpu.dma_semaphore, #tpu.memory_space<semaphore_mem>>
      %dma_start3A = tpu.memref_slice %arg4[%mul3A_10] : memref<131072xf32, #tpu.memory_space<hbm>> -> memref<4096xf32, #tpu.memory_space<hbm>>
      %dma_start3A_11 = tpu.memref_slice %arg4[%mul3A_10] : memref<131072xf32, #tpu.memory_space<hbm>> -> memref<4096xf32, #tpu.memory_space<hbm>>
      tpu.enqueue_dma source(%arg7 : memref<4096xf32, #tpu.memory_space<vmem>>) target(%dma_start3A_11 : memref<4096xf32, #tpu.memory_space<hbm>>) target_semaphore(%run_scoped3A : memref<!tpu.dma_semaphore, #tpu.memory_space<semaphore_mem>>)
      %dma_wait3A = tpu.memref_slice %arg4[%mul3A_10] : memref<131072xf32, #tpu.memory_space<hbm>> -> memref<4096xf32, #tpu.memory_space<hbm>>
      %dma_wait3A_12 = tpu.memref_slice %arg4[%mul3A_10] : memref<131072xf32, #tpu.memory_space<hbm>> -> memref<4096xf32, #tpu.memory_space<hbm>>
      tpu.wait_dma2 semaphore(%run_scoped3A : memref<!tpu.dma_semaphore, #tpu.memory_space<semaphore_mem>>) src(%arg7 : memref<4096xf32, #tpu.memory_space<vmem>>) dst(%dma_wait3A_12 : memref<4096xf32, #tpu.memory_space<hbm>>)
      tpu.yield
    }) : () -> ()
    return
  }
}

#map = affine_map<(d0, d1) -> (0)>
module attributes {stable_mosaic.version = 14 : i64} {
  func.func @_sc_scatter_body(%arg0: i32, %arg1: i32, %arg2: memref<131072xi32, #tpu.memory_space<hbm>>, %arg3: memref<2228224xf32, #tpu.memory_space<hbm>>, %arg4: memref<69632xf32, #tpu.memory_space<hbm>>, %arg5: memref<2228224xf32, #tpu.memory_space<hbm>>, %arg6: memref<4096xi32, #tpu.memory_space<vmem>>, %arg7: memref<8704xf32, #tpu.memory_space<vmem>>, %arg8: memref<69632xf32, #tpu.memory_space<vmem>>) attributes {dimension_semantics = [#tpu.dimension_semantics<core_parallel>, #tpu.dimension_semantics<subcore_parallel>], iteration_bounds = array<i64: 2, 16>, scalar_prefetch = 0 : i64, scratch_operands = 3 : i64, tpu.core_type = #tpu.core_type<sc_vector_subcore>, window_params = [{transform_indices = #map}, {transform_indices = #map}, {transform_indices = #map}, {transform_indices = #map}]} {
    %mul3A = arith.constant 16 : i32
    %mul3A_0 = arith.muli %arg0, %mul3A : i32
    %add3A = arith.addi %mul3A_0, %arg1 : i32
    "tpu.region"() ({
      %run_scoped3A = tpu.sem_alloc : memref<!tpu.dma_semaphore, #tpu.memory_space<semaphore_mem>>
      tpu.enqueue_dma source(%arg4 : memref<69632xf32, #tpu.memory_space<hbm>>) target(%arg8 : memref<69632xf32, #tpu.memory_space<vmem>>) target_semaphore(%run_scoped3A : memref<!tpu.dma_semaphore, #tpu.memory_space<semaphore_mem>>)
      tpu.wait_dma2 semaphore(%run_scoped3A : memref<!tpu.dma_semaphore, #tpu.memory_space<semaphore_mem>>) src(%arg4 : memref<69632xf32, #tpu.memory_space<hbm>>) dst(%arg8 : memref<69632xf32, #tpu.memory_space<vmem>>)
      tpu.yield
    }) : () -> ()
    %mul3A_1 = arith.constant 4096 : i32
    %mul3A_2 = arith.muli %add3A, %mul3A_1 : i32
    "tpu.region"() ({
      %run_scoped3A = tpu.sem_alloc : memref<!tpu.dma_semaphore, #tpu.memory_space<semaphore_mem>>
      %dma_start3A = tpu.memref_slice %arg2[%mul3A_2] : memref<131072xi32, #tpu.memory_space<hbm>> -> memref<4096xi32, #tpu.memory_space<hbm>>
      %dma_start3A_13 = tpu.memref_slice %arg2[%mul3A_2] : memref<131072xi32, #tpu.memory_space<hbm>> -> memref<4096xi32, #tpu.memory_space<hbm>>
      tpu.enqueue_dma source(%dma_start3A_13 : memref<4096xi32, #tpu.memory_space<hbm>>) target(%arg6 : memref<4096xi32, #tpu.memory_space<vmem>>) target_semaphore(%run_scoped3A : memref<!tpu.dma_semaphore, #tpu.memory_space<semaphore_mem>>)
      %dma_wait3A = tpu.memref_slice %arg2[%mul3A_2] : memref<131072xi32, #tpu.memory_space<hbm>> -> memref<4096xi32, #tpu.memory_space<hbm>>
      %dma_wait3A_14 = tpu.memref_slice %arg2[%mul3A_2] : memref<131072xi32, #tpu.memory_space<hbm>> -> memref<4096xi32, #tpu.memory_space<hbm>>
      tpu.wait_dma2 semaphore(%run_scoped3A : memref<!tpu.dma_semaphore, #tpu.memory_space<semaphore_mem>>) src(%dma_wait3A_14 : memref<4096xi32, #tpu.memory_space<hbm>>) dst(%arg6 : memref<4096xi32, #tpu.memory_space<vmem>>)
      tpu.yield
    }) : () -> ()
    %scan3A = arith.constant 0 : i32
    %scan3A_3 = arith.constant 0 : i32
    %scan3A_4 = arith.constant 8 : i32
    %scan3A_5 = arith.addi %scan3A_3, %scan3A_4 : i32
    %scan3A_6 = arith.constant 1 : i32
    %scan3A_7 = scf.for %scan3A_13 = %scan3A_3 to %scan3A_5 step %scan3A_6 iter_args(%scan3A_14 = %scan3A) -> (i32)  : i32 {
      %mul3A_15 = arith.constant 8 : i32
      %mul3A_16 = arith.muli %add3A, %mul3A_15 : i32
      %add3A_17 = arith.addi %mul3A_16, %scan3A_13 : i32
      %mul3A_18 = arith.constant 17 : i32
      %mul3A_19 = arith.muli %add3A_17, %mul3A_18 : i32
      %mul3A_20 = arith.constant 512 : i32
      %mul3A_21 = arith.muli %mul3A_19, %mul3A_20 : i32
      "tpu.region"() ({
        %run_scoped3A = tpu.sem_alloc : memref<!tpu.dma_semaphore, #tpu.memory_space<semaphore_mem>>
        %dma_start3A = tpu.memref_slice %arg3[%mul3A_21] : memref<2228224xf32, #tpu.memory_space<hbm>> -> memref<8704xf32, #tpu.memory_space<hbm>>
        %dma_start3A_30 = tpu.memref_slice %arg3[%mul3A_21] : memref<2228224xf32, #tpu.memory_space<hbm>> -> memref<8704xf32, #tpu.memory_space<hbm>>
        tpu.enqueue_dma source(%dma_start3A_30 : memref<8704xf32, #tpu.memory_space<hbm>>) target(%arg7 : memref<8704xf32, #tpu.memory_space<vmem>>) target_semaphore(%run_scoped3A : memref<!tpu.dma_semaphore, #tpu.memory_space<semaphore_mem>>)
        %dma_wait3A = tpu.memref_slice %arg3[%mul3A_21] : memref<2228224xf32, #tpu.memory_space<hbm>> -> memref<8704xf32, #tpu.memory_space<hbm>>
        %dma_wait3A_31 = tpu.memref_slice %arg3[%mul3A_21] : memref<2228224xf32, #tpu.memory_space<hbm>> -> memref<8704xf32, #tpu.memory_space<hbm>>
        tpu.wait_dma2 semaphore(%run_scoped3A : memref<!tpu.dma_semaphore, #tpu.memory_space<semaphore_mem>>) src(%dma_wait3A_31 : memref<8704xf32, #tpu.memory_space<hbm>>) dst(%arg7 : memref<8704xf32, #tpu.memory_space<vmem>>)
        tpu.yield
      }) : () -> ()
      %scan3A_22 = arith.constant 0 : i32
      %scan3A_23 = arith.constant 0 : i32
      %scan3A_24 = arith.constant 32 : i32
      %scan3A_25 = arith.addi %scan3A_23, %scan3A_24 : i32
      %scan3A_26 = arith.constant 1 : i32
      %scan3A_27 = scf.for %scan3A_30 = %scan3A_23 to %scan3A_25 step %scan3A_26 iter_args(%scan3A_31 = %scan3A_22) -> (i32)  : i32 {
        %mul3A_32 = arith.constant 512 : i32
        %mul3A_33 = arith.muli %scan3A_13, %mul3A_32 : i32
        %mul3A_34 = arith.constant 16 : i32
        %mul3A_35 = arith.muli %scan3A_30, %mul3A_34 : i32
        %add3A_36 = arith.addi %mul3A_33, %mul3A_35 : i32
        %get3A = arith.index_cast %add3A_36 : i32 to index
        %get3A_37 = tpu.vector_load %arg6[%get3A] {strides = array<i32>} : memref<4096xi32, #tpu.memory_space<vmem>>, vector<16xi32>,
        %mul3A_38 = arith.constant 16 : i32
        %mul3A_39 = arith.muli %scan3A_30, %mul3A_38 : i32
        %add3A_40 = arith.constant 0 : i32
        %add3A_41 = arith.addi %add3A_40, %mul3A_39 : i32
        %get3A_42 = arith.index_cast %add3A_41 : i32 to index
        %get3A_43 = tpu.vector_load %arg7[%get3A_42] {strides = array<i32>} : memref<8704xf32, #tpu.memory_space<vmem>>, vector<16xf32>,
        %scatter3A = arith.constant 0 : i32
        %scatter3A_44 = tpu.memref_slice %arg8[%scatter3A] : memref<69632xf32, #tpu.memory_space<vmem>> -> memref<4096xf32, #tpu.memory_space<vmem>>
        tpu.vector_store_idx %scatter3A_44[%get3A_37], %get3A_43 {add = true} : memref<4096xf32, #tpu.memory_space<vmem>>[vector<16xi32>], vector<16xf32>,
        %mul3A_45 = arith.constant 16 : i32
        %mul3A_46 = arith.muli %scan3A_30, %mul3A_45 : i32
        %add3A_47 = arith.constant 512 : i32
        %add3A_48 = arith.addi %add3A_47, %mul3A_46 : i32
        %get3A_49 = arith.index_cast %add3A_48 : i32 to index
        %get3A_50 = tpu.vector_load %arg7[%get3A_49] {strides = array<i32>} : memref<8704xf32, #tpu.memory_space<vmem>>, vector<16xf32>,
        %scatter3A_51 = arith.constant 4096 : i32
        %scatter3A_52 = tpu.memref_slice %arg8[%scatter3A_51] : memref<69632xf32, #tpu.memory_space<vmem>> -> memref<4096xf32, #tpu.memory_space<vmem>>
        tpu.vector_store_idx %scatter3A_52[%get3A_37], %get3A_50 {add = true} : memref<4096xf32, #tpu.memory_space<vmem>>[vector<16xi32>], vector<16xf32>,
        %mul3A_53 = arith.constant 16 : i32
        %mul3A_54 = arith.muli %scan3A_30, %mul3A_53 : i32
        %add3A_55 = arith.constant 1024 : i32
        %add3A_56 = arith.addi %add3A_55, %mul3A_54 : i32
        %get3A_57 = arith.index_cast %add3A_56 : i32 to index
        %get3A_58 = tpu.vector_load %arg7[%get3A_57] {strides = array<i32>} : memref<8704xf32, #tpu.memory_space<vmem>>, vector<16xf32>,
        %scatter3A_59 = arith.constant 8192 : i32
        %scatter3A_60 = tpu.memref_slice %arg8[%scatter3A_59] : memref<69632xf32, #tpu.memory_space<vmem>> -> memref<4096xf32, #tpu.memory_space<vmem>>
        tpu.vector_store_idx %scatter3A_60[%get3A_37], %get3A_58 {add = true} : memref<4096xf32, #tpu.memory_space<vmem>>[vector<16xi32>], vector<16xf32>,
        %mul3A_61 = arith.constant 16 : i32
        %mul3A_62 = arith.muli %scan3A_30, %mul3A_61 : i32
        %add3A_63 = arith.constant 1536 : i32
        %add3A_64 = arith.addi %add3A_63, %mul3A_62 : i32
        %get3A_65 = arith.index_cast %add3A_64 : i32 to index
        %get3A_66 = tpu.vector_load %arg7[%get3A_65] {strides = array<i32>} : memref<8704xf32, #tpu.memory_space<vmem>>, vector<16xf32>,
        %scatter3A_67 = arith.constant 12288 : i32
        %scatter3A_68 = tpu.memref_slice %arg8[%scatter3A_67] : memref<69632xf32, #tpu.memory_space<vmem>> -> memref<4096xf32, #tpu.memory_space<vmem>>
        tpu.vector_store_idx %scatter3A_68[%get3A_37], %get3A_66 {add = true} : memref<4096xf32, #tpu.memory_space<vmem>>[vector<16xi32>], vector<16xf32>,
        %mul3A_69 = arith.constant 16 : i32
        %mul3A_70 = arith.muli %scan3A_30, %mul3A_69 : i32
        %add3A_71 = arith.constant 2048 : i32
        %add3A_72 = arith.addi %add3A_71, %mul3A_70 : i32
        %get3A_73 = arith.index_cast %add3A_72 : i32 to index
        %get3A_74 = tpu.vector_load %arg7[%get3A_73] {strides = array<i32>} : memref<8704xf32, #tpu.memory_space<vmem>>, vector<16xf32>,
        %scatter3A_75 = arith.constant 16384 : i32
        %scatter3A_76 = tpu.memref_slice %arg8[%scatter3A_75] : memref<69632xf32, #tpu.memory_space<vmem>> -> memref<4096xf32, #tpu.memory_space<vmem>>
        tpu.vector_store_idx %scatter3A_76[%get3A_37], %get3A_74 {add = true} : memref<4096xf32, #tpu.memory_space<vmem>>[vector<16xi32>], vector<16xf32>,
        %mul3A_77 = arith.constant 16 : i32
        %mul3A_78 = arith.muli %scan3A_30, %mul3A_77 : i32
        %add3A_79 = arith.constant 2560 : i32
        %add3A_80 = arith.addi %add3A_79, %mul3A_78 : i32
        %get3A_81 = arith.index_cast %add3A_80 : i32 to index
        %get3A_82 = tpu.vector_load %arg7[%get3A_81] {strides = array<i32>} : memref<8704xf32, #tpu.memory_space<vmem>>, vector<16xf32>,
        %scatter3A_83 = arith.constant 20480 : i32
        %scatter3A_84 = tpu.memref_slice %arg8[%scatter3A_83] : memref<69632xf32, #tpu.memory_space<vmem>> -> memref<4096xf32, #tpu.memory_space<vmem>>
        tpu.vector_store_idx %scatter3A_84[%get3A_37], %get3A_82 {add = true} : memref<4096xf32, #tpu.memory_space<vmem>>[vector<16xi32>], vector<16xf32>,
        %mul3A_85 = arith.constant 16 : i32
        %mul3A_86 = arith.muli %scan3A_30, %mul3A_85 : i32
        %add3A_87 = arith.constant 3072 : i32
        %add3A_88 = arith.addi %add3A_87, %mul3A_86 : i32
        %get3A_89 = arith.index_cast %add3A_88 : i32 to index
        %get3A_90 = tpu.vector_load %arg7[%get3A_89] {strides = array<i32>} : memref<8704xf32, #tpu.memory_space<vmem>>, vector<16xf32>,
        %scatter3A_91 = arith.constant 24576 : i32
        %scatter3A_92 = tpu.memref_slice %arg8[%scatter3A_91] : memref<69632xf32, #tpu.memory_space<vmem>> -> memref<4096xf32, #tpu.memory_space<vmem>>
        tpu.vector_store_idx %scatter3A_92[%get3A_37], %get3A_90 {add = true} : memref<4096xf32, #tpu.memory_space<vmem>>[vector<16xi32>], vector<16xf32>,
        %mul3A_93 = arith.constant 16 : i32
        %mul3A_94 = arith.muli %scan3A_30, %mul3A_93 : i32
        %add3A_95 = arith.constant 3584 : i32
        %add3A_96 = arith.addi %add3A_95, %mul3A_94 : i32
        %get3A_97 = arith.index_cast %add3A_96 : i32 to index
        %get3A_98 = tpu.vector_load %arg7[%get3A_97] {strides = array<i32>} : memref<8704xf32, #tpu.memory_space<vmem>>, vector<16xf32>,
        %scatter3A_99 = arith.constant 28672 : i32
        %scatter3A_100 = tpu.memref_slice %arg8[%scatter3A_99] : memref<69632xf32, #tpu.memory_space<vmem>> -> memref<4096xf32, #tpu.memory_space<vmem>>
        tpu.vector_store_idx %scatter3A_100[%get3A_37], %get3A_98 {add = true} : memref<4096xf32, #tpu.memory_space<vmem>>[vector<16xi32>], vector<16xf32>,
        %mul3A_101 = arith.constant 16 : i32
        %mul3A_102 = arith.muli %scan3A_30, %mul3A_101 : i32
        %add3A_103 = arith.constant 4096 : i32
        %add3A_104 = arith.addi %add3A_103, %mul3A_102 : i32
        %get3A_105 = arith.index_cast %add3A_104 : i32 to index
        %get3A_106 = tpu.vector_load %arg7[%get3A_105] {strides = array<i32>} : memref<8704xf32, #tpu.memory_space<vmem>>, vector<16xf32>,
        %scatter3A_107 = arith.constant 32768 : i32
        %scatter3A_108 = tpu.memref_slice %arg8[%scatter3A_107] : memref<69632xf32, #tpu.memory_space<vmem>> -> memref<4096xf32, #tpu.memory_space<vmem>>
        tpu.vector_store_idx %scatter3A_108[%get3A_37], %get3A_106 {add = true} : memref<4096xf32, #tpu.memory_space<vmem>>[vector<16xi32>], vector<16xf32>,
        %mul3A_109 = arith.constant 16 : i32
        %mul3A_110 = arith.muli %scan3A_30, %mul3A_109 : i32
        %add3A_111 = arith.constant 4608 : i32
        %add3A_112 = arith.addi %add3A_111, %mul3A_110 : i32
        %get3A_113 = arith.index_cast %add3A_112 : i32 to index
        %get3A_114 = tpu.vector_load %arg7[%get3A_113] {strides = array<i32>} : memref<8704xf32, #tpu.memory_space<vmem>>, vector<16xf32>,
        %scatter3A_115 = arith.constant 36864 : i32
        %scatter3A_116 = tpu.memref_slice %arg8[%scatter3A_115] : memref<69632xf32, #tpu.memory_space<vmem>> -> memref<4096xf32, #tpu.memory_space<vmem>>
        tpu.vector_store_idx %scatter3A_116[%get3A_37], %get3A_114 {add = true} : memref<4096xf32, #tpu.memory_space<vmem>>[vector<16xi32>], vector<16xf32>,
        %mul3A_117 = arith.constant 16 : i32
        %mul3A_118 = arith.muli %scan3A_30, %mul3A_117 : i32
        %add3A_119 = arith.constant 5120 : i32
        %add3A_120 = arith.addi %add3A_119, %mul3A_118 : i32
        %get3A_121 = arith.index_cast %add3A_120 : i32 to index
        %get3A_122 = tpu.vector_load %arg7[%get3A_121] {strides = array<i32>} : memref<8704xf32, #tpu.memory_space<vmem>>, vector<16xf32>,
        %scatter3A_123 = arith.constant 40960 : i32
        %scatter3A_124 = tpu.memref_slice %arg8[%scatter3A_123] : memref<69632xf32, #tpu.memory_space<vmem>> -> memref<4096xf32, #tpu.memory_space<vmem>>
        tpu.vector_store_idx %scatter3A_124[%get3A_37], %get3A_122 {add = true} : memref<4096xf32, #tpu.memory_space<vmem>>[vector<16xi32>], vector<16xf32>,
        %mul3A_125 = arith.constant 16 : i32
        %mul3A_126 = arith.muli %scan3A_30, %mul3A_125 : i32
        %add3A_127 = arith.constant 5632 : i32
        %add3A_128 = arith.addi %add3A_127, %mul3A_126 : i32
        %get3A_129 = arith.index_cast %add3A_128 : i32 to index
        %get3A_130 = tpu.vector_load %arg7[%get3A_129] {strides = array<i32>} : memref<8704xf32, #tpu.memory_space<vmem>>, vector<16xf32>,
        %scatter3A_131 = arith.constant 45056 : i32
        %scatter3A_132 = tpu.memref_slice %arg8[%scatter3A_131] : memref<69632xf32, #tpu.memory_space<vmem>> -> memref<4096xf32, #tpu.memory_space<vmem>>
        tpu.vector_store_idx %scatter3A_132[%get3A_37], %get3A_130 {add = true} : memref<4096xf32, #tpu.memory_space<vmem>>[vector<16xi32>], vector<16xf32>,
        %mul3A_133 = arith.constant 16 : i32
        %mul3A_134 = arith.muli %scan3A_30, %mul3A_133 : i32
        %add3A_135 = arith.constant 6144 : i32
        %add3A_136 = arith.addi %add3A_135, %mul3A_134 : i32
        %get3A_137 = arith.index_cast %add3A_136 : i32 to index
        %get3A_138 = tpu.vector_load %arg7[%get3A_137] {strides = array<i32>} : memref<8704xf32, #tpu.memory_space<vmem>>, vector<16xf32>,
        %scatter3A_139 = arith.constant 49152 : i32
        %scatter3A_140 = tpu.memref_slice %arg8[%scatter3A_139] : memref<69632xf32, #tpu.memory_space<vmem>> -> memref<4096xf32, #tpu.memory_space<vmem>>
        tpu.vector_store_idx %scatter3A_140[%get3A_37], %get3A_138 {add = true} : memref<4096xf32, #tpu.memory_space<vmem>>[vector<16xi32>], vector<16xf32>,
        %mul3A_141 = arith.constant 16 : i32
        %mul3A_142 = arith.muli %scan3A_30, %mul3A_141 : i32
        %add3A_143 = arith.constant 6656 : i32
        %add3A_144 = arith.addi %add3A_143, %mul3A_142 : i32
        %get3A_145 = arith.index_cast %add3A_144 : i32 to index
        %get3A_146 = tpu.vector_load %arg7[%get3A_145] {strides = array<i32>} : memref<8704xf32, #tpu.memory_space<vmem>>, vector<16xf32>,
        %scatter3A_147 = arith.constant 53248 : i32
        %scatter3A_148 = tpu.memref_slice %arg8[%scatter3A_147] : memref<69632xf32, #tpu.memory_space<vmem>> -> memref<4096xf32, #tpu.memory_space<vmem>>
        tpu.vector_store_idx %scatter3A_148[%get3A_37], %get3A_146 {add = true} : memref<4096xf32, #tpu.memory_space<vmem>>[vector<16xi32>], vector<16xf32>,
        %mul3A_149 = arith.constant 16 : i32
        %mul3A_150 = arith.muli %scan3A_30, %mul3A_149 : i32
        %add3A_151 = arith.constant 7168 : i32
        %add3A_152 = arith.addi %add3A_151, %mul3A_150 : i32
        %get3A_153 = arith.index_cast %add3A_152 : i32 to index
        %get3A_154 = tpu.vector_load %arg7[%get3A_153] {strides = array<i32>} : memref<8704xf32, #tpu.memory_space<vmem>>, vector<16xf32>,
        %scatter3A_155 = arith.constant 57344 : i32
        %scatter3A_156 = tpu.memref_slice %arg8[%scatter3A_155] : memref<69632xf32, #tpu.memory_space<vmem>> -> memref<4096xf32, #tpu.memory_space<vmem>>
        tpu.vector_store_idx %scatter3A_156[%get3A_37], %get3A_154 {add = true} : memref<4096xf32, #tpu.memory_space<vmem>>[vector<16xi32>], vector<16xf32>,
        %mul3A_157 = arith.constant 16 : i32
        %mul3A_158 = arith.muli %scan3A_30, %mul3A_157 : i32
        %add3A_159 = arith.constant 7680 : i32
        %add3A_160 = arith.addi %add3A_159, %mul3A_158 : i32
        %get3A_161 = arith.index_cast %add3A_160 : i32 to index
        %get3A_162 = tpu.vector_load %arg7[%get3A_161] {strides = array<i32>} : memref<8704xf32, #tpu.memory_space<vmem>>, vector<16xf32>,
        %scatter3A_163 = arith.constant 61440 : i32
        %scatter3A_164 = tpu.memref_slice %arg8[%scatter3A_163] : memref<69632xf32, #tpu.memory_space<vmem>> -> memref<4096xf32, #tpu.memory_space<vmem>>
        tpu.vector_store_idx %scatter3A_164[%get3A_37], %get3A_162 {add = true} : memref<4096xf32, #tpu.memory_space<vmem>>[vector<16xi32>], vector<16xf32>,
        %mul3A_165 = arith.constant 16 : i32
        %mul3A_166 = arith.muli %scan3A_30, %mul3A_165 : i32
        %add3A_167 = arith.constant 8192 : i32
        %add3A_168 = arith.addi %add3A_167, %mul3A_166 : i32
        %get3A_169 = arith.index_cast %add3A_168 : i32 to index
        %get3A_170 = tpu.vector_load %arg7[%get3A_169] {strides = array<i32>} : memref<8704xf32, #tpu.memory_space<vmem>>, vector<16xf32>,
        %scatter3A_171 = arith.constant 65536 : i32
        %scatter3A_172 = tpu.memref_slice %arg8[%scatter3A_171] : memref<69632xf32, #tpu.memory_space<vmem>> -> memref<4096xf32, #tpu.memory_space<vmem>>
        tpu.vector_store_idx %scatter3A_172[%get3A_37], %get3A_170 {add = true} : memref<4096xf32, #tpu.memory_space<vmem>>[vector<16xi32>], vector<16xf32>,
        %scan3A_173 = arith.constant 0 : i32
        scf.yield %scan3A_173 : i32
      }
      %scan3A_28 = arith.constant 32 : i32
      %scan3A_29 = arith.constant 0 : i32
      scf.yield %scan3A_29 : i32
    }
    %scan3A_8 = arith.constant 8 : i32
    %mul3A_9 = arith.constant 17 : i32
    %mul3A_10 = arith.muli %add3A, %mul3A_9 : i32
    %mul3A_11 = arith.constant 4096 : i32
    %mul3A_12 = arith.muli %mul3A_10, %mul3A_11 : i32
    "tpu.region"() ({
      %run_scoped3A = tpu.sem_alloc : memref<!tpu.dma_semaphore, #tpu.memory_space<semaphore_mem>>
      %dma_start3A = tpu.memref_slice %arg5[%mul3A_12] : memref<2228224xf32, #tpu.memory_space<hbm>> -> memref<69632xf32, #tpu.memory_space<hbm>>
      %dma_start3A_13 = tpu.memref_slice %arg5[%mul3A_12] : memref<2228224xf32, #tpu.memory_space<hbm>> -> memref<69632xf32, #tpu.memory_space<hbm>>
      tpu.enqueue_dma source(%arg8 : memref<69632xf32, #tpu.memory_space<vmem>>) target(%dma_start3A_13 : memref<69632xf32, #tpu.memory_space<hbm>>) target_semaphore(%run_scoped3A : memref<!tpu.dma_semaphore, #tpu.memory_space<semaphore_mem>>)
      %dma_wait3A = tpu.memref_slice %arg5[%mul3A_12] : memref<2228224xf32, #tpu.memory_space<hbm>> -> memref<69632xf32, #tpu.memory_space<hbm>>
      %dma_wait3A_14 = tpu.memref_slice %arg5[%mul3A_12] : memref<2228224xf32, #tpu.memory_space<hbm>> -> memref<69632xf32, #tpu.memory_space<hbm>>
      tpu.wait_dma2 semaphore(%run_scoped3A : memref<!tpu.dma_semaphore, #tpu.memory_space<semaphore_mem>>) src(%arg8 : memref<69632xf32, #tpu.memory_space<vmem>>) dst(%dma_wait3A_14 : memref<69632xf32, #tpu.memory_space<hbm>>)
      tpu.yield
    }) : () -> ()
    return
  }
}

module attributes {stable_mosaic.version = 14 : i64} {
  func.func @_pre_body(%arg0: i32, %arg1: memref<256x256xf32, #tpu.memory_space<vmem>>, %arg2: memref<256x256xf32, #tpu.memory_space<vmem>>, %arg3: memref<256x16xf32, #tpu.memory_space<vmem>>, %arg4: memref<1x256xf32, #tpu.memory_space<vmem>>, %arg5: memref<1x256xf32, #tpu.memory_space<vmem>>, %arg6: memref<256x256xf32, #tpu.memory_space<vmem>>, %arg7: memref<32x17x256xf32, #tpu.memory_space<vmem>>, %arg8: memref<256x256xf32, #tpu.memory_space<vmem>>, %arg9: memref<256x256xf32, #tpu.memory_space<vmem>>, %arg10: memref<256x1xf32, #tpu.memory_space<vmem>>, %arg11: memref<1x16xf32, #tpu.memory_space<vmem>>, %arg12: memref<1x16xf32, #tpu.memory_space<vmem>>, %arg13: memref<1x16xf32, #tpu.memory_space<vmem>>) attributes {dimension_semantics = [#tpu.dimension_semantics<arbitrary>], iteration_bounds = array<i64: 16>, scalar_prefetch = 0 : i64, scratch_operands = 0 : i64, tpu.core_type = #tpu.core_type<tc>, window_params = [{transform_indices = @transform_0, window_bounds = array<i64: 256, 256>}, {pipeline_mode = #tpu.pipeline_mode<synchronous>, transform_indices = @transform_1, window_bounds = array<i64: 256, 256>}, {pipeline_mode = #tpu.pipeline_mode<synchronous>, transform_indices = @transform_2, window_bounds = array<i64: 256, 16>}, {pipeline_mode = #tpu.pipeline_mode<synchronous>, transform_indices = @transform_3, window_bounds = array<i64: 1, 256>}, {pipeline_mode = #tpu.pipeline_mode<synchronous>, transform_indices = @transform_4, window_bounds = array<i64: 1, 256>}, {pipeline_mode = #tpu.pipeline_mode<synchronous>, transform_indices = @transform_5, window_bounds = array<i64: 256, 256>}, {transform_indices = @transform_6, window_bounds = array<i64: 32, 17, 256>}, {transform_indices = @transform_7, window_bounds = array<i64: 256, 256>}, {transform_indices = @transform_8, window_bounds = array<i64: 256, 256>}, {transform_indices = @transform_9, window_bounds = array<i64: 256, 1>}, {pipeline_mode = #tpu.pipeline_mode<synchronous>, transform_indices = @transform_10, window_bounds = array<i64: 1, 16>}, {pipeline_mode = #tpu.pipeline_mode<synchronous>, transform_indices = @transform_11, window_bounds = array<i64: 1, 16>}, {pipeline_mode = #tpu.pipeline_mode<synchronous>, transform_indices = @transform_12, window_bounds = array<i64: 1, 16>}]} {
    %get3A = arith.constant 0 : index
    %get3A_0 = arith.constant 0 : index
    %get3A_1 = arith.constant 0 : index
    %get3A_2 = vector.load %arg7[%get3A, %get3A_0, %get3A_1] : memref<32x17x256xf32, #tpu.memory_space<vmem>>, vector<32x17x256xf32>
    %reduce_sum3A = arith.constant dense<0.000000e+00> : vector<17x256xf32>
    %reduce_sum3A_3 = vector.multi_reduction <add>, %get3A_2, %reduce_sum3A [0] : vector<32x17x256xf32> to vector<17x256xf32>
    %iota3A = tpu.iota {dimensions = array<i32: 0>} : vector<256x256xi32>
    %iota3A_4 = tpu.iota {dimensions = array<i32: 1>} : vector<256x256xi32>
    %eq3A = arith.cmpi eq, %iota3A, %iota3A_4 : vector<256x256xi32>
    %jit3A = arith.constant 1.000000e+00 : f32
    %jit3A_5 = arith.constant 0.000000e+00 : f32
    %broadcast_in_dim3A = vector.broadcast %jit3A : f32 to vector<256x256xf32>
    %broadcast_in_dim3A_6 = vector.broadcast %jit3A_5 : f32 to vector<256x256xf32>
    %select_n3A = arith.select %eq3A, %broadcast_in_dim3A, %broadcast_in_dim3A_6 : vector<256x256xi1>, vector<256x256xf32>
    %slice3A = vector.extract_strided_slice %reduce_sum3A_3 {offsets = [0, 0], sizes = [16, 256], strides = [1, 1]} : vector<17x256xf32> to vector<16x256xf32>
    %dot_general3A = arith.constant dense<0.000000e+00> : vector<256x16xf32>
    %dot_general3A_7 = tpu.matmul %select_n3A, %slice3A, %dot_general3A {dimension_numbers = #tpu.dot_dimension_numbers<[1], [1], [0], [0], [0, 0, 1, 0], [], []>, transpose_lhs_hint = false} : vector<256x256xf32>, vector<16x256xf32>, vector<256x16xf32> -> vector<256x16xf32>
    %slice3A_8 = vector.extract_strided_slice %reduce_sum3A_3 {offsets = [16, 0], sizes = [1, 256], strides = [1, 1]} : vector<17x256xf32> to vector<1x256xf32>
    %dot_general3A_9 = arith.constant dense<0.000000e+00> : vector<256x1xf32>
    %dot_general3A_10 = tpu.matmul %select_n3A, %slice3A_8, %dot_general3A_9 {dimension_numbers = #tpu.dot_dimension_numbers<[1], [1], [0], [0], [0, 0, 1, 0], [], []>, transpose_lhs_hint = false} : vector<256x256xf32>, vector<1x256xf32>, vector<256x1xf32> -> vector<256x1xf32>
    %get3A_11 = arith.constant 0 : index
    %get3A_12 = arith.constant 0 : index
    %get3A_13 = vector.load %arg1[%get3A_11, %get3A_12] : memref<256x256xf32, #tpu.memory_space<vmem>>, vector<256x256xf32>
    %get3A_14 = arith.constant 0 : index
    %get3A_15 = arith.constant 0 : index
    %get3A_16 = vector.load %arg2[%get3A_14, %get3A_15] : memref<256x256xf32, #tpu.memory_space<vmem>>, vector<256x256xf32>
    %dot_general3A_17 = arith.constant dense<0.000000e+00> : vector<256x256xf32>
    %dot_general3A_18 = tpu.matmul %get3A_13, %get3A_16, %dot_general3A_17 {dimension_numbers = #tpu.dot_dimension_numbers<[1], [1], [0], [0], [0, 0, 1, 0], [], []>, transpose_lhs_hint = false} : vector<256x256xf32>, vector<256x256xf32>, vector<256x256xf32> -> vector<256x256xf32>
    %get3A_19 = arith.constant 0 : index
    %get3A_20 = arith.constant 0 : index
    %get3A_21 = vector.load %arg3[%get3A_19, %get3A_20] : memref<256x16xf32, #tpu.memory_space<vmem>>, vector<256x16xf32>
    %dot_general3A_22 = arith.constant dense<0.000000e+00> : vector<256x256xf32>
    %dot_general3A_23 = tpu.matmul %dot_general3A_7, %get3A_21, %dot_general3A_22 {dimension_numbers = #tpu.dot_dimension_numbers<[1], [1], [0], [0], [0, 0, 1, 0], [], []>, transpose_lhs_hint = false} : vector<256x16xf32>, vector<256x16xf32>, vector<256x256xf32> -> vector<256x256xf32>
    %add3A = arith.addf %dot_general3A_18, %dot_general3A_23 : vector<256x256xf32>
    %get3A_24 = arith.constant 0 : index
    %get3A_25 = arith.constant 0 : index
    %get3A_26 = vector.load %arg4[%get3A_24, %get3A_25] : memref<1x256xf32, #tpu.memory_space<vmem>>, vector<1x256xf32>
    %add3A_27 = vector.broadcast %get3A_26 : vector<1x256xf32> to vector<256x256xf32>
    %add3A_28 = arith.addf %add3A, %add3A_27 : vector<256x256xf32>
    %get3A_29 = arith.constant 0 : index
    %get3A_30 = arith.constant 0 : index
    %get3A_31 = vector.load %arg5[%get3A_29, %get3A_30] : memref<1x256xf32, #tpu.memory_space<vmem>>, vector<1x256xf32>
    %mul3A = vector.broadcast %dot_general3A_10 : vector<256x1xf32> to vector<256x256xf32>
    %mul3A_32 = vector.broadcast %get3A_31 : vector<1x256xf32> to vector<256x256xf32>
    %mul3A_33 = arith.mulf %mul3A, %mul3A_32 : vector<256x256xf32>
    %add3A_34 = arith.addf %add3A_28, %mul3A_33 : vector<256x256xf32>
    %reduce_sum3A_35 = arith.constant dense<0.000000e+00> : vector<256xf32>
    %reduce_sum3A_36 = vector.multi_reduction <add>, %add3A_34, %reduce_sum3A_35 [1] : vector<256x256xf32> to vector<256xf32>
    %broadcast_in_dim3A_37 = vector.shape_cast %reduce_sum3A_36 : vector<256xf32> to vector<256x1xf32>
    %swap3A = arith.constant 0 : index
    %swap3A_38 = arith.constant 0 : index
    %swap3A_39 = vector.load %arg10[%swap3A, %swap3A_38] : memref<256x1xf32, #tpu.memory_space<vmem>>, vector<256x1xf32>
    tpu.vector_store %arg10[%swap3A, %swap3A_38], %broadcast_in_dim3A_37 {strides = array<i32>} : memref<256x1xf32, #tpu.memory_space<vmem>>, vector<256x1xf32>,
    %mul3A_40 = arith.mulf %add3A_34, %add3A_34 : vector<256x256xf32>
    %reduce_sum3A_41 = arith.constant dense<0.000000e+00> : vector<256xf32>
    %reduce_sum3A_42 = vector.multi_reduction <add>, %mul3A_40, %reduce_sum3A_41 [1] : vector<256x256xf32> to vector<256xf32>
    %broadcast_in_dim3A_43 = vector.shape_cast %reduce_sum3A_42 : vector<256xf32> to vector<256x1xf32>
    %rsqrt3A = math.rsqrt %broadcast_in_dim3A_43 : vector<256x1xf32>
    %mul3A_44 = vector.broadcast %rsqrt3A : vector<256x1xf32> to vector<256x256xf32>
    %mul3A_45 = arith.mulf %add3A_34, %mul3A_44 : vector<256x256xf32>
    %swap3A_46 = arith.constant 0 : index
    %swap3A_47 = arith.constant 0 : index
    %swap3A_48 = vector.load %arg8[%swap3A_46, %swap3A_47] : memref<256x256xf32, #tpu.memory_space<vmem>>, vector<256x256xf32>
    tpu.vector_store %arg8[%swap3A_46, %swap3A_47], %mul3A_45 {strides = array<i32>} : memref<256x256xf32, #tpu.memory_space<vmem>>, vector<256x256xf32>,
    %get3A_49 = arith.constant 0 : index
    %get3A_50 = arith.constant 0 : index
    %get3A_51 = vector.load %arg6[%get3A_49, %get3A_50] : memref<256x256xf32, #tpu.memory_space<vmem>>, vector<256x256xf32>
    %dot_general3A_52 = arith.constant dense<0.000000e+00> : vector<256x256xf32>
    %dot_general3A_53 = tpu.matmul %add3A_34, %get3A_51, %dot_general3A_52 {dimension_numbers = #tpu.dot_dimension_numbers<[1], [1], [0], [0], [0, 0, 1, 0], [], []>, transpose_lhs_hint = false} : vector<256x256xf32>, vector<256x256xf32>, vector<256x256xf32> -> vector<256x256xf32>
    %swap3A_54 = arith.constant 0 : index
    %swap3A_55 = arith.constant 0 : index
    %swap3A_56 = vector.load %arg9[%swap3A_54, %swap3A_55] : memref<256x256xf32, #tpu.memory_space<vmem>>, vector<256x256xf32>
    tpu.vector_store %arg9[%swap3A_54, %swap3A_55], %dot_general3A_53 {strides = array<i32>} : memref<256x256xf32, #tpu.memory_space<vmem>>, vector<256x256xf32>,
    %eq3A_57 = arith.constant 0 : i32
    %eq3A_58 = arith.cmpi eq, %arg0, %eq3A_57 : i32
    %convert_element_type3A = arith.extui %eq3A_58 : i1 to i32
    %cond3A = arith.constant 0 : i32
    %cond3A_59 = arith.cmpi ne, %convert_element_type3A, %cond3A : i32
    scf.if %cond3A_59 {
      %broadcast_in_dim3A_110 = arith.constant 0.000000e+00 : f32
      %broadcast_in_dim3A_111 = vector.broadcast %broadcast_in_dim3A_110 : f32 to vector<1x16xf32>
      %swap3A_112 = arith.constant 0 : index
      %swap3A_113 = arith.constant 0 : index
      %swap3A_114 = vector.load %arg11[%swap3A_112, %swap3A_113] : memref<1x16xf32, #tpu.memory_space<vmem>>, vector<1x16xf32>
      tpu.vector_store %arg11[%swap3A_112, %swap3A_113], %broadcast_in_dim3A_111 {strides = array<i32>} : memref<1x16xf32, #tpu.memory_space<vmem>>, vector<1x16xf32>,
      %broadcast_in_dim3A_115 = arith.constant 0.000000e+00 : f32
      %broadcast_in_dim3A_116 = vector.broadcast %broadcast_in_dim3A_115 : f32 to vector<1x16xf32>
      %swap3A_117 = arith.constant 0 : index
      %swap3A_118 = arith.constant 0 : index
      %swap3A_119 = vector.load %arg12[%swap3A_117, %swap3A_118] : memref<1x16xf32, #tpu.memory_space<vmem>>, vector<1x16xf32>
      tpu.vector_store %arg12[%swap3A_117, %swap3A_118], %broadcast_in_dim3A_116 {strides = array<i32>} : memref<1x16xf32, #tpu.memory_space<vmem>>, vector<1x16xf32>,
      %broadcast_in_dim3A_120 = arith.constant 0.000000e+00 : f32
      %broadcast_in_dim3A_121 = vector.broadcast %broadcast_in_dim3A_120 : f32 to vector<1x16xf32>
      %swap3A_122 = arith.constant 0 : index
      %swap3A_123 = arith.constant 0 : index
      %swap3A_124 = vector.load %arg13[%swap3A_122, %swap3A_123] : memref<1x16xf32, #tpu.memory_space<vmem>>, vector<1x16xf32>
      tpu.vector_store %arg13[%swap3A_122, %swap3A_123], %broadcast_in_dim3A_121 {strides = array<i32>} : memref<1x16xf32, #tpu.memory_space<vmem>>, vector<1x16xf32>,
    } else {
    }
    %get3A_60 = arith.constant 0 : index
    %get3A_61 = arith.constant 0 : index
    %get3A_62 = vector.load %arg11[%get3A_60, %get3A_61] : memref<1x16xf32, #tpu.memory_space<vmem>>, vector<1x16xf32>
    %dot_general3A_63 = arith.constant dense<0.000000e+00> : vector<1x16xf32>
    %dot_general3A_64 = tpu.matmul %broadcast_in_dim3A_37, %dot_general3A_7, %dot_general3A_63 {dimension_numbers = #tpu.dot_dimension_numbers<[0], [0], [1], [1], [0, 1, 1, 1], [], []>, transpose_lhs_hint = false} : vector<256x1xf32>, vector<256x16xf32>, vector<1x16xf32> -> vector<1x16xf32>
    %add3A_65 = arith.addf %get3A_62, %dot_general3A_64 : vector<1x16xf32>
    %swap3A_66 = arith.constant 0 : index
    %swap3A_67 = arith.constant 0 : index
    %swap3A_68 = vector.load %arg11[%swap3A_66, %swap3A_67] : memref<1x16xf32, #tpu.memory_space<vmem>>, vector<1x16xf32>
    tpu.vector_store %arg11[%swap3A_66, %swap3A_67], %add3A_65 {strides = array<i32>} : memref<1x16xf32, #tpu.memory_space<vmem>>, vector<1x16xf32>,
    %broadcast_in_dim3A_69 = arith.constant 1.000000e+00 : f32
    %broadcast_in_dim3A_70 = vector.broadcast %broadcast_in_dim3A_69 : f32 to vector<1x256xf32>
    %get3A_71 = arith.constant 0 : index
    %get3A_72 = arith.constant 0 : index
    %get3A_73 = vector.load %arg12[%get3A_71, %get3A_72] : memref<1x16xf32, #tpu.memory_space<vmem>>, vector<1x16xf32>
    %dot_general3A_74 = arith.constant dense<0.000000e+00> : vector<1x16xf32>
    %dot_general3A_75 = tpu.matmul %broadcast_in_dim3A_70, %dot_general3A_7, %dot_general3A_74 {dimension_numbers = #tpu.dot_dimension_numbers<[1], [0], [0], [1], [0, 0, 1, 1], [], []>, transpose_lhs_hint = false} : vector<1x256xf32>, vector<256x16xf32>, vector<1x16xf32> -> vector<1x16xf32>
    %add3A_76 = arith.addf %get3A_73, %dot_general3A_75 : vector<1x16xf32>
    %swap3A_77 = arith.constant 0 : index
    %swap3A_78 = arith.constant 0 : index
    %swap3A_79 = vector.load %arg12[%swap3A_77, %swap3A_78] : memref<1x16xf32, #tpu.memory_space<vmem>>, vector<1x16xf32>
    tpu.vector_store %arg12[%swap3A_77, %swap3A_78], %add3A_76 {strides = array<i32>} : memref<1x16xf32, #tpu.memory_space<vmem>>, vector<1x16xf32>,
    %dot_general3A_80 = arith.constant dense<0.000000e+00> : vector<1x1xf32>
    %dot_general3A_81 = tpu.matmul %dot_general3A_10, %broadcast_in_dim3A_37, %dot_general3A_80 {dimension_numbers = #tpu.dot_dimension_numbers<[0], [0], [1], [1], [0, 1, 1, 1], [], []>, transpose_lhs_hint = false} : vector<256x1xf32>, vector<256x1xf32>, vector<1x1xf32> -> vector<1x1xf32>
    %mul3A_82 = arith.mulf %broadcast_in_dim3A_37, %broadcast_in_dim3A_37 : vector<256x1xf32>
    %dot_general3A_83 = arith.constant dense<0.000000e+00> : vector<1x1xf32>
    %dot_general3A_84 = tpu.matmul %dot_general3A_10, %mul3A_82, %dot_general3A_83 {dimension_numbers = #tpu.dot_dimension_numbers<[0], [0], [1], [1], [0, 1, 1, 1], [], []>, transpose_lhs_hint = false} : vector<256x1xf32>, vector<256x1xf32>, vector<1x1xf32> -> vector<1x1xf32>
    %iota3A_85 = tpu.iota {dimensions = array<i32: 1>} : vector<1x16xi32>
    %get3A_86 = arith.constant 0 : index
    %get3A_87 = arith.constant 0 : index
    %get3A_88 = vector.load %arg13[%get3A_86, %get3A_87] : memref<1x16xf32, #tpu.memory_space<vmem>>, vector<1x16xf32>
    %eq3A_89 = arith.constant 0 : i32
    %eq3A_90 = vector.broadcast %eq3A_89 : i32 to vector<1x16xi32>
    %eq3A_91 = arith.cmpi eq, %iota3A_85, %eq3A_90 : vector<1x16xi32>
    %jit3A_92 = arith.constant 0.000000e+00 : f32
    %broadcast_in_dim3A_93 = vector.shape_cast %dot_general3A_81 : vector<1x1xf32> to vector<1x1xf32>
    %broadcast_in_dim3A_94 = vector.broadcast %broadcast_in_dim3A_93 : vector<1x1xf32> to vector<1x16xf32>
    %broadcast_in_dim3A_95 = vector.broadcast %jit3A_92 : f32 to vector<1x16xf32>
    %select_n3A_96 = arith.select %eq3A_91, %broadcast_in_dim3A_94, %broadcast_in_dim3A_95 : vector<1x16xi1>, vector<1x16xf32>
    %eq3A_97 = arith.constant 1 : i32
    %eq3A_98 = vector.broadcast %eq3A_97 : i32 to vector<1x16xi32>
    %eq3A_99 = arith.cmpi eq, %iota3A_85, %eq3A_98 : vector<1x16xi32>
    %jit3A_100 = arith.constant 0.000000e+00 : f32
    %broadcast_in_dim3A_101 = vector.shape_cast %dot_general3A_84 : vector<1x1xf32> to vector<1x1xf32>
    %broadcast_in_dim3A_102 = vector.broadcast %broadcast_in_dim3A_101 : vector<1x1xf32> to vector<1x16xf32>
    %broadcast_in_dim3A_103 = vector.broadcast %jit3A_100 : f32 to vector<1x16xf32>
    %select_n3A_104 = arith.select %eq3A_99, %broadcast_in_dim3A_102, %broadcast_in_dim3A_103 : vector<1x16xi1>, vector<1x16xf32>
    %add3A_105 = arith.addf %select_n3A_96, %select_n3A_104 : vector<1x16xf32>
    %add3A_106 = arith.addf %get3A_88, %add3A_105 : vector<1x16xf32>
    %swap3A_107 = arith.constant 0 : index
    %swap3A_108 = arith.constant 0 : index
    %swap3A_109 = vector.load %arg13[%swap3A_107, %swap3A_108] : memref<1x16xf32, #tpu.memory_space<vmem>>, vector<1x16xf32>
    tpu.vector_store %arg13[%swap3A_107, %swap3A_108], %add3A_106 {strides = array<i32>} : memref<1x16xf32, #tpu.memory_space<vmem>>, vector<1x16xf32>,
    return
  }
  func.func @transform_0(%arg0: i32) -> (i32, i32) {
    %c0_i32 = arith.constant 0 : i32
    %c0_i32_0 = arith.constant 0 : i32
    return %arg0, %c0_i32 : i32, i32
  }
  func.func @transform_1(%arg0: i32) -> (i32, i32) {
    %c0_i32 = arith.constant 0 : i32
    %c0_i32_0 = arith.constant 0 : i32
    %c0_i32_1 = arith.constant 0 : i32
    return %c0_i32, %c0_i32_0 : i32, i32
  }
  func.func @transform_2(%arg0: i32) -> (i32, i32) {
    %c0_i32 = arith.constant 0 : i32
    %c0_i32_0 = arith.constant 0 : i32
    %c0_i32_1 = arith.constant 0 : i32
    return %c0_i32, %c0_i32_0 : i32, i32
  }
  func.func @transform_3(%arg0: i32) -> (i32, i32) {
    %c0_i32 = arith.constant 0 : i32
    %c0_i32_0 = arith.constant 0 : i32
    %c0_i32_1 = arith.constant 0 : i32
    return %c0_i32, %c0_i32_0 : i32, i32
  }
  func.func @transform_4(%arg0: i32) -> (i32, i32) {
    %c0_i32 = arith.constant 0 : i32
    %c0_i32_0 = arith.constant 0 : i32
    %c0_i32_1 = arith.constant 0 : i32
    return %c0_i32, %c0_i32_0 : i32, i32
  }
  func.func @transform_5(%arg0: i32) -> (i32, i32) {
    %c0_i32 = arith.constant 0 : i32
    %c0_i32_0 = arith.constant 0 : i32
    %c0_i32_1 = arith.constant 0 : i32
    return %c0_i32, %c0_i32_0 : i32, i32
  }
  func.func @transform_6(%arg0: i32) -> (i32, i32, i32) {
    %c0_i32 = arith.constant 0 : i32
    %c0_i32_0 = arith.constant 0 : i32
    %c0_i32_1 = arith.constant 0 : i32
    return %c0_i32, %c0_i32_0, %arg0 : i32, i32, i32
  }
  func.func @transform_7(%arg0: i32) -> (i32, i32) {
    %c0_i32 = arith.constant 0 : i32
    %c0_i32_0 = arith.constant 0 : i32
    return %arg0, %c0_i32 : i32, i32
  }
  func.func @transform_8(%arg0: i32) -> (i32, i32) {
    %c0_i32 = arith.constant 0 : i32
    %c0_i32_0 = arith.constant 0 : i32
    return %arg0, %c0_i32 : i32, i32
  }
  func.func @transform_9(%arg0: i32) -> (i32, i32) {
    %c0_i32 = arith.constant 0 : i32
    %c0_i32_0 = arith.constant 0 : i32
    return %arg0, %c0_i32 : i32, i32
  }
  func.func @transform_10(%arg0: i32) -> (i32, i32) {
    %c0_i32 = arith.constant 0 : i32
    %c0_i32_0 = arith.constant 0 : i32
    %c0_i32_1 = arith.constant 0 : i32
    return %c0_i32, %c0_i32_0 : i32, i32
  }
  func.func @transform_11(%arg0: i32) -> (i32, i32) {
    %c0_i32 = arith.constant 0 : i32
    %c0_i32_0 = arith.constant 0 : i32
    %c0_i32_1 = arith.constant 0 : i32
    return %c0_i32, %c0_i32_0 : i32, i32
  }
  func.func @transform_12(%arg0: i32) -> (i32, i32) {
    %c0_i32 = arith.constant 0 : i32
    %c0_i32_0 = arith.constant 0 : i32
    %c0_i32_1 = arith.constant 0 : i32
    return %c0_i32, %c0_i32_0 : i32, i32
  }
}

module attributes {stable_mosaic.version = 14 : i64} {
  func.func @_gram_body(%arg0: i32, %arg1: memref<4096x16xf32, #tpu.memory_space<vmem>>, %arg2: memref<16x16xf32, #tpu.memory_space<vmem>>) attributes {dimension_semantics = [#tpu.dimension_semantics<arbitrary>], iteration_bounds = array<i64: 32>, scalar_prefetch = 0 : i64, scratch_operands = 0 : i64, tpu.core_type = #tpu.core_type<tc>, window_params = [{transform_indices = @transform_0, window_bounds = array<i64: 4096, 16>}, {pipeline_mode = #tpu.pipeline_mode<synchronous>, transform_indices = @transform_1, window_bounds = array<i64: 16, 16>}]} {
    %eq3A = arith.constant 0 : i32
    %eq3A_0 = arith.cmpi eq, %arg0, %eq3A : i32
    %convert_element_type3A = arith.extui %eq3A_0 : i1 to i32
    %cond3A = arith.constant 0 : i32
    %cond3A_1 = arith.cmpi ne, %convert_element_type3A, %cond3A : i32
    scf.if %cond3A_1 {
      %broadcast_in_dim3A = arith.constant 0.000000e+00 : f32
      %broadcast_in_dim3A_10 = vector.broadcast %broadcast_in_dim3A : f32 to vector<16x16xf32>
      %swap3A_11 = arith.constant 0 : index
      %swap3A_12 = arith.constant 0 : index
      %swap3A_13 = vector.load %arg2[%swap3A_11, %swap3A_12] : memref<16x16xf32, #tpu.memory_space<vmem>>, vector<16x16xf32>
      tpu.vector_store %arg2[%swap3A_11, %swap3A_12], %broadcast_in_dim3A_10 {strides = array<i32>} : memref<16x16xf32, #tpu.memory_space<vmem>>, vector<16x16xf32>,
    } else {
    }
    %get3A = arith.constant 0 : index
    %get3A_2 = arith.constant 0 : index
    %get3A_3 = vector.load %arg1[%get3A, %get3A_2] : memref<4096x16xf32, #tpu.memory_space<vmem>>, vector<4096x16xf32>
    %get3A_4 = arith.constant 0 : index
    %get3A_5 = arith.constant 0 : index
    %get3A_6 = vector.load %arg2[%get3A_4, %get3A_5] : memref<16x16xf32, #tpu.memory_space<vmem>>, vector<16x16xf32>
    %dot_general3A = arith.constant dense<0.000000e+00> : vector<16x16xf32>
    %dot_general3A_7 = tpu.matmul %get3A_3, %get3A_3, %dot_general3A {dimension_numbers = #tpu.dot_dimension_numbers<[0], [0], [1], [1], [0, 1, 1, 1], [], []>, transpose_lhs_hint = false} : vector<4096x16xf32>, vector<4096x16xf32>, vector<16x16xf32> -> vector<16x16xf32>
    %add3A = arith.addf %get3A_6, %dot_general3A_7 : vector<16x16xf32>
    %swap3A = arith.constant 0 : index
    %swap3A_8 = arith.constant 0 : index
    %swap3A_9 = vector.load %arg2[%swap3A, %swap3A_8] : memref<16x16xf32, #tpu.memory_space<vmem>>, vector<16x16xf32>
    tpu.vector_store %arg2[%swap3A, %swap3A_8], %add3A {strides = array<i32>} : memref<16x16xf32, #tpu.memory_space<vmem>>, vector<16x16xf32>,
    return
  }
  func.func @transform_0(%arg0: i32) -> (i32, i32) {
    %c0_i32 = arith.constant 0 : i32
    %c0_i32_0 = arith.constant 0 : i32
    return %arg0, %c0_i32 : i32, i32
  }
  func.func @transform_1(%arg0: i32) -> (i32, i32) {
    %c0_i32 = arith.constant 0 : i32
    %c0_i32_0 = arith.constant 0 : i32
    %c0_i32_1 = arith.constant 0 : i32
    return %c0_i32, %c0_i32_0 : i32, i32
  }
}

module attributes {stable_mosaic.version = 14 : i64} {
  func.func @_attn_body(%arg0: i32, %arg1: i32, %arg2: memref<256x256xf32, #tpu.memory_space<vmem>>, %arg3: memref<256x256xf32, #tpu.memory_space<vmem>>, %arg4: memref<256x256xf32, #tpu.memory_space<vmem>>, %arg5: memref<1x256xf32, #tpu.memory_space<vmem>>, %arg6: memref<256x256xf32, #tpu.memory_space<vmem>>, %arg7: memref<256x256xf32, #tpu.memory_space<vmem>>, %arg8: memref<256x128xf32, #tpu.memory_space<vmem>>) attributes {dimension_semantics = [#tpu.dimension_semantics<arbitrary>, #tpu.dimension_semantics<arbitrary>], iteration_bounds = array<i64: 16, 16>, scalar_prefetch = 0 : i64, scratch_operands = 2 : i64, tpu.core_type = #tpu.core_type<tc>, window_params = [{transform_indices = @transform_0, window_bounds = array<i64: 256, 256>}, {transform_indices = @transform_1, window_bounds = array<i64: 256, 256>}, {transform_indices = @transform_2, window_bounds = array<i64: 256, 256>}, {pipeline_mode = #tpu.pipeline_mode<synchronous>, transform_indices = @transform_3, window_bounds = array<i64: 1, 256>}, {transform_indices = @transform_4, window_bounds = array<i64: 256, 256>}]} {
    %eq3A = arith.constant 0 : i32
    %eq3A_0 = arith.cmpi eq, %arg1, %eq3A : i32
    %convert_element_type3A = arith.extui %eq3A_0 : i1 to i32
    %cond3A = arith.constant 0 : i32
    %cond3A_1 = arith.cmpi ne, %convert_element_type3A, %cond3A : i32
    scf.if %cond3A_1 {
      %broadcast_in_dim3A_38 = arith.constant 0.000000e+00 : f32
      %broadcast_in_dim3A_39 = vector.broadcast %broadcast_in_dim3A_38 : f32 to vector<256x256xf32>
      %swap3A_40 = arith.constant 0 : index
      %swap3A_41 = arith.constant 0 : index
      %swap3A_42 = vector.load %arg7[%swap3A_40, %swap3A_41] : memref<256x256xf32, #tpu.memory_space<vmem>>, vector<256x256xf32>
      tpu.vector_store %arg7[%swap3A_40, %swap3A_41], %broadcast_in_dim3A_39 {strides = array<i32>} : memref<256x256xf32, #tpu.memory_space<vmem>>, vector<256x256xf32>,
      %broadcast_in_dim3A_43 = arith.constant 0.000000e+00 : f32
      %broadcast_in_dim3A_44 = vector.broadcast %broadcast_in_dim3A_43 : f32 to vector<256x128xf32>
      %swap3A_45 = arith.constant 0 : index
      %swap3A_46 = arith.constant 0 : index
      %swap3A_47 = vector.load %arg8[%swap3A_45, %swap3A_46] : memref<256x128xf32, #tpu.memory_space<vmem>>, vector<256x128xf32>
      tpu.vector_store %arg8[%swap3A_45, %swap3A_46], %broadcast_in_dim3A_44 {strides = array<i32>} : memref<256x128xf32, #tpu.memory_space<vmem>>, vector<256x128xf32>,
    } else {
    }
    %get3A = arith.constant 0 : index
    %get3A_2 = arith.constant 0 : index
    %get3A_3 = vector.load %arg2[%get3A, %get3A_2] : memref<256x256xf32, #tpu.memory_space<vmem>>, vector<256x256xf32>
    %get3A_4 = arith.constant 0 : index
    %get3A_5 = arith.constant 0 : index
    %get3A_6 = vector.load %arg3[%get3A_4, %get3A_5] : memref<256x256xf32, #tpu.memory_space<vmem>>, vector<256x256xf32>
    %dot_general3A = arith.constant dense<0.000000e+00> : vector<256x256xf32>
    %dot_general3A_7 = tpu.matmul %get3A_3, %get3A_6, %dot_general3A {dimension_numbers = #tpu.dot_dimension_numbers<[1], [1], [0], [0], [0, 0, 1, 0], [], []>, transpose_lhs_hint = false} : vector<256x256xf32>, vector<256x256xf32>, vector<256x256xf32> -> vector<256x256xf32>
    %iota3A = tpu.iota {dimensions = array<i32: 0>} : vector<256x256xi32>
    %iota3A_8 = tpu.iota {dimensions = array<i32: 1>} : vector<256x256xi32>
    %eq3A_9 = arith.cmpi eq, %iota3A, %iota3A_8 : vector<256x256xi32>
    %eq3A_10 = arith.cmpi eq, %arg0, %arg1 : i32
    %and3A = vector.broadcast %eq3A_10 : i1 to vector<256x256xi1>
    %and3A_11 = arith.andi %eq3A_9, %and3A : vector<256x256xi1>
    %jit3A = arith.constant 1.000000e+00 : f32
    %jit3A_12 = arith.constant 0.000000e+00 : f32
    %broadcast_in_dim3A = vector.broadcast %jit3A : f32 to vector<256x256xf32>
    %broadcast_in_dim3A_13 = vector.broadcast %jit3A_12 : f32 to vector<256x256xf32>
    %select_n3A = arith.select %and3A_11, %broadcast_in_dim3A, %broadcast_in_dim3A_13 : vector<256x256xi1>, vector<256x256xf32>
    %sub3A = arith.subf %dot_general3A_7, %select_n3A : vector<256x256xf32>
    %exp3A = math.exp %sub3A : vector<256x256xf32>
    %get3A_14 = arith.constant 0 : index
    %get3A_15 = arith.constant 0 : index
    %get3A_16 = vector.load %arg8[%get3A_14, %get3A_15] : memref<256x128xf32, #tpu.memory_space<vmem>>, vector<256x1xf32>
    %reduce_sum3A = arith.constant dense<0.000000e+00> : vector<256xf32>
    %reduce_sum3A_17 = vector.multi_reduction <add>, %exp3A, %reduce_sum3A [1] : vector<256x256xf32> to vector<256xf32>
    %broadcast_in_dim3A_18 = vector.shape_cast %reduce_sum3A_17 : vector<256xf32> to vector<256x1xf32>
    %add3A = arith.addf %get3A_16, %broadcast_in_dim3A_18 : vector<256x1xf32>
    %swap3A = arith.constant 0 : index
    %swap3A_19 = arith.constant 0 : index
    %swap3A_20 = vector.load %arg8[%swap3A, %swap3A_19] : memref<256x128xf32, #tpu.memory_space<vmem>>, vector<256x1xf32>
    tpu.vector_store %arg8[%swap3A, %swap3A_19], %add3A {strides = array<i32>} : memref<256x128xf32, #tpu.memory_space<vmem>>, vector<256x1xf32>,
    %get3A_21 = arith.constant 0 : index
    %get3A_22 = arith.constant 0 : index
    %get3A_23 = vector.load %arg7[%get3A_21, %get3A_22] : memref<256x256xf32, #tpu.memory_space<vmem>>, vector<256x256xf32>
    %get3A_24 = arith.constant 0 : index
    %get3A_25 = arith.constant 0 : index
    %get3A_26 = vector.load %arg4[%get3A_24, %get3A_25] : memref<256x256xf32, #tpu.memory_space<vmem>>, vector<256x256xf32>
    %dot_general3A_27 = arith.constant dense<0.000000e+00> : vector<256x256xf32>
    %dot_general3A_28 = tpu.matmul %exp3A, %get3A_26, %dot_general3A_27 {dimension_numbers = #tpu.dot_dimension_numbers<[1], [0], [0], [1], [0, 0, 1, 1], [], []>, transpose_lhs_hint = false} : vector<256x256xf32>, vector<256x256xf32>, vector<256x256xf32> -> vector<256x256xf32>
    %add3A_29 = arith.addf %get3A_23, %dot_general3A_28 : vector<256x256xf32>
    %swap3A_30 = arith.constant 0 : index
    %swap3A_31 = arith.constant 0 : index
    %swap3A_32 = vector.load %arg7[%swap3A_30, %swap3A_31] : memref<256x256xf32, #tpu.memory_space<vmem>>, vector<256x256xf32>
    tpu.vector_store %arg7[%swap3A_30, %swap3A_31], %add3A_29 {strides = array<i32>} : memref<256x256xf32, #tpu.memory_space<vmem>>, vector<256x256xf32>,
    %eq3A_33 = arith.constant 15 : i32
    %eq3A_34 = arith.cmpi eq, %arg1, %eq3A_33 : i32
    %convert_element_type3A_35 = arith.extui %eq3A_34 : i1 to i32
    %cond3A_36 = arith.constant 0 : i32
    %cond3A_37 = arith.cmpi ne, %convert_element_type3A_35, %cond3A_36 : i32
    scf.if %cond3A_37 {
      %get3A_38 = arith.constant 0 : index
      %get3A_39 = arith.constant 0 : index
      %get3A_40 = vector.load %arg7[%get3A_38, %get3A_39] : memref<256x256xf32, #tpu.memory_space<vmem>>, vector<256x256xf32>
      %get3A_41 = arith.constant 0 : index
      %get3A_42 = arith.constant 0 : index
      %get3A_43 = vector.load %arg8[%get3A_41, %get3A_42] : memref<256x128xf32, #tpu.memory_space<vmem>>, vector<256x1xf32>
      %div3A = vector.broadcast %get3A_43 : vector<256x1xf32> to vector<256x256xf32>
      %div3A_44 = arith.divf %get3A_40, %div3A : vector<256x256xf32>
      %get3A_45 = arith.constant 0 : index
      %get3A_46 = arith.constant 0 : index
      %get3A_47 = vector.load %arg5[%get3A_45, %get3A_46] : memref<1x256xf32, #tpu.memory_space<vmem>>, vector<1x256xf32>
      %add3A_48 = vector.broadcast %get3A_47 : vector<1x256xf32> to vector<256x256xf32>
      %add3A_49 = arith.addf %div3A_44, %add3A_48 : vector<256x256xf32>
      %swap3A_50 = arith.constant 0 : index
      %swap3A_51 = arith.constant 0 : index
      %swap3A_52 = vector.load %arg6[%swap3A_50, %swap3A_51] : memref<256x256xf32, #tpu.memory_space<vmem>>, vector<256x256xf32>
      tpu.vector_store %arg6[%swap3A_50, %swap3A_51], %add3A_49 {strides = array<i32>} : memref<256x256xf32, #tpu.memory_space<vmem>>, vector<256x256xf32>,
    } else {
    }
    return
  }
  func.func @transform_0(%arg0: i32, %arg1: i32) -> (i32, i32) {
    %c0_i32 = arith.constant 0 : i32
    %c0_i32_0 = arith.constant 0 : i32
    return %arg0, %c0_i32 : i32, i32
  }
  func.func @transform_1(%arg0: i32, %arg1: i32) -> (i32, i32) {
    %c0_i32 = arith.constant 0 : i32
    %c0_i32_0 = arith.constant 0 : i32
    return %arg1, %c0_i32 : i32, i32
  }
  func.func @transform_2(%arg0: i32, %arg1: i32) -> (i32, i32) {
    %c0_i32 = arith.constant 0 : i32
    %c0_i32_0 = arith.constant 0 : i32
    return %arg1, %c0_i32 : i32, i32
  }
  func.func @transform_3(%arg0: i32, %arg1: i32) -> (i32, i32) {
    %c0_i32 = arith.constant 0 : i32
    %c0_i32_0 = arith.constant 0 : i32
    %c0_i32_1 = arith.constant 0 : i32
    return %c0_i32, %c0_i32_0 : i32, i32
  }
  func.func @transform_4(%arg0: i32, %arg1: i32) -> (i32, i32) {
    %c0_i32 = arith.constant 0 : i32
    %c0_i32_0 = arith.constant 0 : i32
    return %arg0, %c0_i32 : i32, i32
  }
}

module attributes {stable_mosaic.version = 14 : i64} {
  func.func @_wout_body(%arg0: i32, %arg1: memref<4096x16xf32, #tpu.memory_space<vmem>>, %arg2: memref<16x16xf32, #tpu.memory_space<vmem>>, %arg3: memref<4096x1xf32, #tpu.memory_space<vmem>>, %arg4: memref<1x16xf32, #tpu.memory_space<vmem>>, %arg5: memref<1x16xf32, #tpu.memory_space<vmem>>, %arg6: memref<4096x16xf32, #tpu.memory_space<vmem>>) attributes {dimension_semantics = [#tpu.dimension_semantics<parallel>], iteration_bounds = array<i64: 32>, scalar_prefetch = 0 : i64, scratch_operands = 0 : i64, tpu.core_type = #tpu.core_type<tc>, window_params = [{transform_indices = @transform_0, window_bounds = array<i64: 4096, 16>}, {pipeline_mode = #tpu.pipeline_mode<synchronous>, transform_indices = @transform_1, window_bounds = array<i64: 16, 16>}, {transform_indices = @transform_2, window_bounds = array<i64: 4096, 1>}, {pipeline_mode = #tpu.pipeline_mode<synchronous>, transform_indices = @transform_3, window_bounds = array<i64: 1, 16>}, {pipeline_mode = #tpu.pipeline_mode<synchronous>, transform_indices = @transform_4, window_bounds = array<i64: 1, 16>}, {transform_indices = @transform_5, window_bounds = array<i64: 4096, 16>}]} {
    %get3A = arith.constant 0 : index
    %get3A_0 = arith.constant 0 : index
    %get3A_1 = vector.load %arg1[%get3A, %get3A_0] : memref<4096x16xf32, #tpu.memory_space<vmem>>, vector<4096x16xf32>
    %get3A_2 = arith.constant 0 : index
    %get3A_3 = arith.constant 0 : index
    %get3A_4 = vector.load %arg2[%get3A_2, %get3A_3] : memref<16x16xf32, #tpu.memory_space<vmem>>, vector<16x16xf32>
    %dot_general3A = arith.constant dense<0.000000e+00> : vector<4096x16xf32>
    %dot_general3A_5 = tpu.matmul %get3A_1, %get3A_4, %dot_general3A {dimension_numbers = #tpu.dot_dimension_numbers<[1], [0], [0], [1], [0, 0, 1, 1], [], []>, transpose_lhs_hint = false} : vector<4096x16xf32>, vector<16x16xf32>, vector<4096x16xf32> -> vector<4096x16xf32>
    %get3A_6 = arith.constant 0 : index
    %get3A_7 = arith.constant 0 : index
    %get3A_8 = vector.load %arg4[%get3A_6, %get3A_7] : memref<1x16xf32, #tpu.memory_space<vmem>>, vector<1x16xf32>
    %add3A = vector.broadcast %get3A_8 : vector<1x16xf32> to vector<4096x16xf32>
    %add3A_9 = arith.addf %dot_general3A_5, %add3A : vector<4096x16xf32>
    %get3A_10 = arith.constant 0 : index
    %get3A_11 = arith.constant 0 : index
    %get3A_12 = vector.load %arg3[%get3A_10, %get3A_11] : memref<4096x1xf32, #tpu.memory_space<vmem>>, vector<4096x1xf32>
    %get3A_13 = arith.constant 0 : index
    %get3A_14 = arith.constant 0 : index
    %get3A_15 = vector.load %arg5[%get3A_13, %get3A_14] : memref<1x16xf32, #tpu.memory_space<vmem>>, vector<1x16xf32>
    %mul3A = vector.broadcast %get3A_12 : vector<4096x1xf32> to vector<4096x16xf32>
    %mul3A_16 = vector.broadcast %get3A_15 : vector<1x16xf32> to vector<4096x16xf32>
    %mul3A_17 = arith.mulf %mul3A, %mul3A_16 : vector<4096x16xf32>
    %add3A_18 = arith.addf %add3A_9, %mul3A_17 : vector<4096x16xf32>
    %swap3A = arith.constant 0 : index
    %swap3A_19 = arith.constant 0 : index
    %swap3A_20 = vector.load %arg6[%swap3A, %swap3A_19] : memref<4096x16xf32, #tpu.memory_space<vmem>>, vector<4096x16xf32>
    tpu.vector_store %arg6[%swap3A, %swap3A_19], %add3A_18 {strides = array<i32>} : memref<4096x16xf32, #tpu.memory_space<vmem>>, vector<4096x16xf32>,
    return
  }
  func.func @transform_0(%arg0: i32) -> (i32, i32) {
    %c0_i32 = arith.constant 0 : i32
    %c0_i32_0 = arith.constant 0 : i32
    return %arg0, %c0_i32 : i32, i32
  }
  func.func @transform_1(%arg0: i32) -> (i32, i32) {
    %c0_i32 = arith.constant 0 : i32
    %c0_i32_0 = arith.constant 0 : i32
    %c0_i32_1 = arith.constant 0 : i32
    return %c0_i32, %c0_i32_0 : i32, i32
  }
  func.func @transform_2(%arg0: i32) -> (i32, i32) {
    %c0_i32 = arith.constant 0 : i32
    %c0_i32_0 = arith.constant 0 : i32
    return %arg0, %c0_i32 : i32, i32
  }
  func.func @transform_3(%arg0: i32) -> (i32, i32) {
    %c0_i32 = arith.constant 0 : i32
    %c0_i32_0 = arith.constant 0 : i32
    %c0_i32_1 = arith.constant 0 : i32
    return %c0_i32, %c0_i32_0 : i32, i32
  }
  func.func @transform_4(%arg0: i32) -> (i32, i32) {
    %c0_i32 = arith.constant 0 : i32
    %c0_i32_0 = arith.constant 0 : i32
    %c0_i32_1 = arith.constant 0 : i32
    return %c0_i32, %c0_i32_0 : i32, i32
  }
  func.func @transform_5(%arg0: i32) -> (i32, i32) {
    %c0_i32 = arith.constant 0 : i32
    %c0_i32_0 = arith.constant 0 : i32
    return %arg0, %c0_i32 : i32, i32
  }
}

</mosaic_0001>

<sc_bundles>
// kernel: kernel.11.cloned.1.call-start
scs
__scs_entry_jumppad:
0x0: {  	(pc) =	sbr.rel $0x88, $3  }
0x1: {  	(tag) =	ssettag $0x0;
	lr =	simm.s32 $0x1  }
0x2: {  	[smem:$0x3F93] =	sst lr;
	_ =	strace $0xD0000000  }
0x3: {  	_ = 	snop  }
0x4: {  	_ = 	snop  }
0x5: {  	_ = 	snop  }
0x6: {  	_ = 	snop  }
0x7: {  	_ = 	snop  }
__scs_overlays_trampoline_lowered:
0x8: {  	[smem:$0x3FA2] =	sst s0  }
0x9: {  	[smem:$0x3FA3] =	sst s1  }
0xa: {  	[smem:$0x3FA4] =	sst s2  }
0xb: {  	[smem:$0x3FA5] =	sst s3  }
0xc: {  	[smem:$0x3FA6] =	sst s4  }
0xd: {  	[smem:$0x3FA7] =	sst s5  }
0xe: {  	[smem:$0x3FA8] =	sst s6  }
0xf: {  	[smem:$0x3FA9] =	sst s7  }
0x10: {  	[smem:$0x3FAA] =	sst s8  }
0x11: {  	[smem:$0x3FAB] =	sst s9;
	s0 =	simm.s32 @!p0 $0x0  }
0x12: {  	s1 =	sld [smem:$0x3F91];
	s0 =	simm.s32 @p0 $0x1  }
0x13: {  	[smem:$0x3FAC] =	sst s0;
	s0 =	simm.s32 @!p1 $0x0  }
0x14: {  	s2 =	sld [smem:$0x3F90];
	s0 =	simm.s32 @p1 $0x1  }
0x15: {  	[smem:$0x3FAD] =	sst s0;
	s0 =	simm.s32 @!p2 $0x0  }
0x16: {  	s3 =	sld [smem:$0x3FDB];
	s0 =	simm.s32 @p2 $0x1  }
0x17: {  	s4 =	simm.s32 $0x1BF5;
	[smem:$0x3FAF] =	sst s0  }
0x18: {  	s0 =	sld [smem:$0x3F92];
	_ =	swait.ge [sflag:s4], $0x0  }
0x19: {  	s7 =	sld [smem:$0x3F93]  }
0x1a: {  	s8 =	sadd.s32 $0xFFFFE003, lr  }
0x1b: {  	s9 =	sadd.s32 $0xFFFFFEF7, lr;
	s5 =	simm.s32 $0xFFFFFFFF;
	p2 =	slt.u32 s8, $0xFFFFF086  }
0x1c: {  	p1 =	slt.u32 s9, $0xF7A;
	s5 =	simm.s32 @!p2 $0x0  }
0x1d: {  	s5 =	simm.s32 @p1 $0x1;
	p0 =	seq.s32 s7, s2  }
0x1e: {  	s7 =	smul.u32 @!p0 $0xF7A, s2;
	p2 =	seq.s32 @!p0 s5, $0x0  }
0x1f: {  	s9 =	smul.u32 $0xF7A, s1;
	s8 =	simm.s32 @!p0 $0x1BF5;
	p2 =	por !p2, p0  }
0x20: {  	[sflag:s8] =	ssyncset.s32 @!p0 $0xFFFFF086;
	s6 =	sadd.s32 @!p0 s3, s7;
	s7 =	simm.s32 @!p0 $0x108  }
0x21: {  	s3 =	sadd.s32 s3, s9;
	s6 =	sadd.s32 @!p0 $0x88, s6;
	s7 =	simm.s32 @p2 $0x1082  }
0x22: {  	[simem:s7], [sflag:s8] =	dma.local @!p0 [hbm:s6], $0xF7A  }
0x23: {  	s9 =	sor.u32 $0xD0000000, s2;
	s6 =	simm.s32 $0x108;
	_ =	swait.ge @!p0 [sflag:s8], $0x0  }
0x24: {  	s3 =	sadd.s32 $0x88, s3;
	s6 =	simm.s32 @!p1 $0x1082;
	[sflag:s4] =	ssyncset.s32 $0xFFFFF086  }
0x25: {  	[simem:s6], [sflag:s4] =	dma.local [hbm:s3], $0xF7A  }
0x26: {  	[smem:$0x3F93] =	sst s1;
	(tag) =	ssettag s2;
	_ =	strace s9  }
0x27: {  	s1 =	sld [smem:$0x3FA3]  }
0x28: {  	s2 =	sld [smem:$0x3FA4]  }
0x29: {  	s4 =	sld [smem:$0x3FA6]  }
0x2a: {  	p0 =	seq.s32 s5, $0x0;
	s5 =	sld [smem:$0x3FA7]  }
0x2b: {  	s6 =	sld [smem:$0x3FA8]  }
0x2c: {  	s7 =	sld [smem:$0x3FA9]  }
0x2d: {  	s3 =	simm.s32 $0x108;
	s8 =	sld [smem:$0x3FAA]  }
0x2e: {  	s3 =	simm.s32 @!p0 $0x1082;
	s9 =	sld [smem:$0x3FAB]  }
0x2f: {  	lr =	sadd.s32 s0, s3;
	s0 =	sld [smem:$0x3FA2]  }
0x30: {  	s3 =	sld [smem:$0x3FA5]  }
0x31: {  	[smem:$0x3FAE] =	sst s10  }
0x32: {  	s10 =	sld [smem:$0x3FAC];
	_ =	sdelay $0x3  }
0x33: {  	p0 =	seq.s32 s10, $0x1;
	s10 =	sld [smem:$0x3FAE];
	_ =	sdelay $0x3  }
0x34: {  	[smem:$0x3FAE] =	sst s10  }
0x35: {  	s10 =	sld [smem:$0x3FAD];
	_ =	sdelay $0x3  }
0x36: {  	p1 =	seq.s32 s10, $0x1;
	s10 =	sld [smem:$0x3FAE];
	_ =	sdelay $0x3  }
0x37: {  	[smem:$0x3FAE] =	sst s10  }
0x38: {  	s10 =	sld [smem:$0x3FAF]  }
0x39: {  	_ = 	snop;
	(pc) =	sbr.ind lr, $3  }
0x3a: {  	_ = 	snop  }
0x3b: {  	_ = 	snop  }
0x3c: {  	p2 =	seq.s32 s10, $0x1;
	s10 =	sld [smem:$0x3FAE]  }
0x3d: {  	_ =	shalt  }
0x3e: {  	_ =	shalt  }
0x3f: {  	_ =	shalt  }
0x40: {  	_ =	shalt  }
0x41: {  	_ =	shalt  }
0x42: {  	_ =	shalt  }
0x43: {  	_ =	shalt  }
0x44: {  	_ =	shalt  }
0x45: {  	_ =	shalt  }
0x46: {  	_ =	shalt  }
0x47: {  	_ =	shalt  }
0x48: {  	_ =	shalt  }
0x49: {  	_ =	shalt  }
0x4a: {  	_ =	shalt  }
0x4b: {  	_ =	shalt  }
0x4c: {  	_ =	shalt  }
0x4d: {  	_ =	shalt  }
0x4e: {  	_ =	shalt  }
0x4f: {  	_ =	shalt  }
0x50: {  	_ =	shalt  }
0x51: {  	_ =	shalt  }
0x52: {  	_ =	shalt  }
0x53: {  	_ =	shalt  }
0x54: {  	_ =	shalt  }
0x55: {  	_ =	shalt  }
0x56: {  	_ =	shalt  }
0x57: {  	_ =	shalt  }
0x58: {  	_ =	shalt  }
0x59: {  	_ =	shalt  }
0x5a: {  	_ =	shalt  }
0x5b: {  	_ =	shalt  }
0x5c: {  	_ =	shalt  }
0x5d: {  	_ =	shalt  }
0x5e: {  	_ =	shalt  }
0x5f: {  	_ =	shalt  }
0x60: {  	_ =	shalt  }
0x61: {  	_ =	shalt  }
0x62: {  	_ =	shalt  }
0x63: {  	_ =	shalt  }
0x64: {  	_ =	shalt  }
0x65: {  	_ =	shalt  }
0x66: {  	_ =	shalt  }
0x67: {  	_ =	shalt  }
0x68: {  	_ =	shalt  }
0x69: {  	_ =	shalt  }
0x6a: {  	_ =	shalt  }
0x6b: {  	_ =	shalt  }
0x6c: {  	_ =	shalt  }
0x6d: {  	_ =	shalt  }
0x6e: {  	_ =	shalt  }
0x6f: {  	_ =	shalt  }
0x70: {  	_ =	shalt  }
0x71: {  	_ =	shalt  }
0x72: {  	_ =	shalt  }
0x73: {  	_ =	shalt  }
0x74: {  	_ =	shalt  }
0x75: {  	_ =	shalt  }
0x76: {  	_ =	shalt  }
0x77: {  	_ =	shalt  }
0x78: {  	_ =	shalt  }
0x79: {  	_ =	shalt  }
0x7a: {  	_ =	shalt  }
0x7b: {  	_ =	shalt  }
0x7c: {  	_ =	shalt  }
0x7d: {  	_ =	shalt  }
0x7e: {  	_ =	shalt  }
0x7f: {  	_ =	shalt  }
0x80: {  	_ =	shalt  }
0x81: {  	_ =	shalt  }
0x82: {  	_ =	shalt  }
0x83: {  	_ =	shalt  }
0x84: {  	_ =	shalt  }
0x85: {  	_ =	shalt  }
0x86: {  	_ =	shalt  }
0x87: {  	_ =	shalt  }
.Lfunc_end0:
.L_simem_size_0:
called_computation.1_lowered:
.L_overlay_start_0:
0x88: {  	s2 =	sld [smem:$0x3FD9]  }
0x89: {  	s3 =	sld [smem:$0x3FFE];
	_ =	sdelay $0x1  }
0x8a: {  	s1 =	srdreg.scid  }
0x8b: {  	s0 =	sand.u32 $0x1, s1  }
0x8c: {  	s14 =	sshll.u32 s0, $0xA;
	s2 =	sadd.s32 s3, s2  }
0x8d: {  	s2 =	sadd.s32 s2, s14  }
0x8e: {  	[smem:$0x3FBA] =	sst s2  }
0x8f: {  	_ = 	snop  }
0x90: {  	s2 =	sld [smem:$0x3FD0];
	_ =	sdelay $0x2  }
0x91: {  	s15 =	simm.s32 $0xA;
	s4 =	simm.s32 $0x10  }
0x92: {  	[smem:s4], [sflag:s15] =	dma.local [hbm:s2], $0x1  }
0x93: {  	_ =	swait.eq [sflag:s15], $0x1  }
0x94: {  	[sflag:s15] =	ssyncset.done $0x0  }
0x95: {  	[sflag:s15] =	ssyncadd.s32 $0xFFFFFFFF  }
0x96: {  	s16 =	sld [smem:$0x11];
	(tm) =	ssettm $0x1  }
0x97: {  	s17 =	sld [smem:$0x3FFB];
	_ =	sdelay $0x3  }
0x98: {  	_ =	strace s17  }
0x99: {  	s3 =	sld [smem:$0x3FFC];
	_ =	sdelay $0x3  }
0x9a: {  	_ =	strace s3  }
0x9b: {  	s3 =	sld [smem:$0x3FFD];
	_ =	sdelay $0x3  }
0x9c: {  	_ =	strace s3  }
0x9d: {  	_ =	strace $0x8FFFFFFF  }
0x9e: {  	s18 =	sld [smem:$0x3FDB];
	_ =	sdelay $0x1  }
0x9f: {  	s19 =	simm.s32 $_scs_section_size  }
0xa0: {  	s5 =	simm.s32 $_size__tile_overlayer_lowered;
	s6 =	simm.s32 $_tile_overlayer_lowered  }
0xa1: {  	s22 =	simm.s32 $0x1BFF;
	s21 =	sshll.u32 s6, $0x1;
	s3 =	sadd.s32 s19, s18  }
0xa2: {  	s7 =	simm.s32 $0x0;
	s20 =	sshll.u32 s5, $0x1;
	s5 =	sadd.s32 s21, s3  }
0xa3: {  	[timem:s7], [sflag:s22] =	dma.local [hbm:s5], s20  }
0xa4: {  	_ =	swait.ge [sflag:s22], s20  }
0xa5: {  	s4 =	ssub.s32 $0x0, s20;
	[sflag:s22] =	ssyncset.done $0x0  }
0xa6: {  	[sflag:s22] =	ssyncadd.s32 s4;
	_ =	sdelay $0x1  }
0xa7: {  	s23 =	simm.s32 $0x1B8B  }
0xa8: {  	_ =	swait.ge [sflag:s23], $0x1  }
0xa9: {  	[sflag:s23] =	ssyncset.done $0x0  }
0xaa: {  	s25 =	simm.s32 $0x1B8E;
	s24 =	sld [smem:$0x3FFE];
	[sflag:s23] =	ssyncadd.s32 $0xFFFFFFFF  }
0xab: {  	s26 =	simm.s32 $execute0_lowered;
	[smem:$0x3FD2] =	sst s25  }
0xac: {  	s5 =	sshll.u32 s26, $0x1;
	_ =	strace $0x80000049;
	[dreg:$0x1] =	wrdreg $0xFFFFFFFF  }
0xad: {  	s28 =	simm.s32 $_size_execute0_lowered;
	s3 =	sadd.s32 s3, s5;
	[dreg:$0x0] =	wrdreg $0x0  }
0xae: {  	s5 =	sshll.u32 s28, $0x1;
	[dreg:$0x2] =	wrdreg s3  }
0xaf: {  	[dreg:$0x3] =	wrdreg s5  }
0xb0: {  	[dreg:$0x4] =	wrdreg $0xC0  }
0xb1: {  	_ =	task [dreg:s7], $0x5FFFF  }
0xb2: {  	[dreg:$0x1] =	wrdreg $0xFFFFFFFF  }
0xb3: {  	[dreg:$0x0] =	wrdreg $0x60  }
0xb4: {  	[dreg:$0x2] =	wrdreg s24  }
0xb5: {  	[dreg:$0x3] =	wrdreg s16  }
0xb6: {  	[dreg:$0x4] =	wrdreg $0x9  }
0xb7: {  	_ =	task.clear_ibuf [dreg:s7], $0x5FFFF;
	_ =	strace $0x90000049  }
0xb8: {  	s29 =	simm.s32 $0x9;
	_ =	strace $0x8000004B  }
0xb9: {  	_ =	swait.ge [sflag:s29], $0x1  }
0xba: {  	[sflag:s29] =	ssyncadd.s32 $0xFFFFFFFF  }
0xbb: {  	_ =	strace $0x9000004B  }
0xbc: {  	_ =	sfence  }
0xbd: {  	s30 =	sld [smem:$0x0];
	_ =	sdelay $0x2  }
0xbe: {  	s31 =	sshll.u32 s1, $0xD;
	s1 =	sshrl.u32 s1, $0x2  }
0xbf: {  	s3 =	sand.u32 $0x4000, s31;
	s1 =	sadd.s32 s1, s30  }
0xc0: {  	s0 =	sor.u32 s3, s0;
	s1 =	sshll.u32 s1, $0x11  }
0xc1: {  	s0 =	sor.u32 s1, s0  }
0xc2: {  	s0 =	sadd.s32 $0x8F2B, s0  }
0xc3: {  	[sflag:s0] =	ssyncadd.remote.s32 $0x1  }
0xc4: {  	_ =	sfence.sel $0xFFFF  }
0xc5: {  	[dreg:$0x0] =	wrdreg $0xFFFFFFFF;
	(pc) =	sbr.abs _section_cstart, $3  }
0xc6: {  	[dreg:$0x1] =	wrdreg $0xFFFFFFFF  }
0xc7: {  	_ =	task.clear_ibuf [dreg:s7], $0x2FFFF;
	_ =	strace $0x9FFFFFFF  }
0xc8: {  	(tm) =	ssettm $0x7FFFFFFF  }
0xc9: {  	_ =	shalt  }
tec
execute0_lowered:
.L_overlay_start_1:
0x0: {  	(tag) =	ssettag $0x1  }
0x1: {  	s4 =	rddreg [dreg:$0x0]  }
0x2: {  	s5 =	rddreg [dreg:$0x1]  }
0x3: {  	s0 =	rddreg [dreg:$0x2]  }
0x4: {  	s2 =	simm.s32 $0x0;
	s3 =	srdreg.scid;
	s1 =	stileid.u32  }
0x5: {  	s10 =	simm.s32 $0x0;
	[smem:$0x7FF] =	sst s2;
	s3 =	sand.u32 $0x1, s3  }
0x6: {  	s7 =	sshll.u32 s1, $0x9;
	s6 =	sshll.u32 s3, $0xD;
	s8 =	ssub.s32 $0x2, s3  }
0x7: {  	_ =	strace $0x8000004A;
	s6 =	sor.u32 s7, s6;
	s31 =	sshrl.u32 s8, $0x1  }
0x8: {  	s3 =	sadd.s32 $0x2200, s4;
	s9 =	sadd.s32 s6, s4;
	s7 =	ssub.s32 s8, s31  }
0x9: {  	s4 =	sadd.s32 s5, s6;
	s8 =	simm.s32 $0x1000;
	s5 =	sadd.s32 $0x2400, s9  }
0xa: {  	s6 =	smax.u32 s7, $0x1;
	s7 =	simm.s32 $0x1;
	s9 =	simm.s32 $0x2000  }
.LBB2_1:
0xb: {  	[tilespmem:s2], [sflag:$0x1] =	stream.linear.gather [hbm4b:s3+s2], $0x1000, $0x38;
	[tilespmem:$0x3000] =	vst v63  }
0xc: {  	_ =	swait.ge [sflag:s7], $0x1000  }
0xd: {  	[sflag:s7] =	ssyncset.done $0x0  }
0xe: {  	[sflag:s7] =	ssyncadd.s32 $0xFFFFF000  }
0xf: {  	[tilespmem:s8], [sflag:$0x1] =	stream.linear.gather [hbm4b:s4+s2], $0x1000, $0x38;
	[tilespmem:$0x3000] =	vst v63  }
0x10: {  	_ =	swait.ge [sflag:s7], $0x1000  }
0x11: {  	[sflag:s7] =	ssyncset.done $0x0  }
0x12: {  	s11 =	simm.s32 $0x0;
	[sflag:s7] =	ssyncadd.s32 $0xFFFFF000  }
0x13: {  	v0 =	vld [tilespmem:s11+$0x1000];
	_ =	sdelay $0x7  }
0x14: {  	s12 =	simm.s32 $0x10;
	s13 =	simm.s32 $0x80;
	v0 =	vld.idx.msk [tilespmem:v0+s2+$0x0], $0xffff  }
.LBB2_2:
0x15: {  	p0 =	sne.s32 s13, $0x3FC0;
	v1 =	vld [tilespmem:s12+$0x1000];
	_ =	sdelay $0x3  }
.Ltmp0:
0x16: {  	(pc) =	sbr.rel @p0 .LBB2_2-.Ltmp0, $2  }
0x17: {  	[tilespmem:s11+$0x2000] =	vst v0;
	s11 =	smov.u32 s12;
	_ =	sdelay $0x2  }
0x18: {  	s12 =	sshra.s32 s13, $0x2;
	s13 =	sadd.s32 $0x40, s13;
	v0 =	vld.idx.msk [tilespmem:v1+s2+$0x0], $0xffff  }
0x19: {  	v1 =	vld [tilespmem:s12+$0x1000];
	_ =	sdelay $0x6  }
0x1a: {  	[tilespmem:s11+$0x2000] =	vst v0  }
0x1b: {  	v0 =	vld.idx.msk [tilespmem:v1+s2+$0x0], $0xffff;
	_ =	sdelay $0x2  }
0x1c: {  	s10 =	sadd.s32 $0x1, s10  }
0x1d: {  	p0 =	sne.s32 s10, s6  }
.Ltmp1:
0x1e: {  	[tilespmem:s12+$0x2000] =	vst v0;
	(pc) =	sbr.rel @p0 .LBB2_1-.Ltmp1, $4  }
0x1f: {  	[hbm4b:s5+s2] =	stream.linear.scatter [tilespmem:s9], [sflag:$0x1], $0x1000, $0x38;
	[tilespmem:$0x3000] =	vst v63  }
0x20: {  	_ =	swait.ge [sflag:s7], $0x1000  }
0x21: {  	[sflag:s7] =	ssyncset.done $0x0  }
0x22: {  	[sflag:s7] =	ssyncadd.s32 $0xFFFFF000  }
0x23: {  	_ =	sfence.sel $0x180000  }
0x24: {  	[bflag:$0x0] =	sbarrier.arrive $0xFFFF  }
0x25: {  	p0 =	sne.s32 s1, $0x0;
	_ =	strace $0x9000004A  }
0x26: {  	s0 =	sadd.s32 @!p0 $0x100000, s0;
	[bflag:$0x2] =	sbarrier.arrive $0xFFFF  }
0x27: {  	[sflag:s0] =	ssyncadd.tile.s32 @!p0 $0x1;
	_ =	shalt  }
.Lfunc_end2:
_tile_overlayer_lowered:
.L_overlay_start_2:
0x28: {  	(tag) =	ssettag $0x2  }
0x29: {  	s0 =	rddreg [dreg:$0x0];
	s2 =	stileid.u32  }
0x2a: {  	s1 =	rddreg [dreg:$0x1];
	p0 =	sne.s32 s2, $0x0  }
0x2b: {  	s3 =	rddreg [dreg:$0x2];
	[bflag:$0x3] =	sbarrier.arrive $0xFFFF;
	s2 =	simm.s32 @!p0 $0x1C01  }
0x2c: {  	[timem:s3], [sflag:s2] =	dma.local @!p0 [hbm:s0], s1  }
0x2d: {  	s0 =	simm.s32 @!p0 $0x1  }
0x2e: {  	_ =	swait.ge @!p0 [sflag:s0], s1  }
0x2f: {  	s1 =	ssub.s32 @!p0 $0x0, s1;
	[sflag:s0] =	ssyncset.done @!p0 $0x0  }
0x30: {  	[sflag:s0] =	ssyncadd.s32 @!p0 s1  }
0x31: {  	[bflag:$0x3] =	sbarrier.arrive $0xFFFF  }
0x32: {  	_ =	shalt  }

// kernel: kernel.8.cloned.1.call-start
scs
__scs_entry_jumppad:
0x0: {  	(pc) =	sbr.rel $0x88, $3  }
0x1: {  	(tag) =	ssettag $0x0;
	lr =	simm.s32 $0x1  }
0x2: {  	[smem:$0x3F93] =	sst lr;
	_ =	strace $0xD0000000  }
0x3: {  	_ = 	snop  }
0x4: {  	_ = 	snop  }
0x5: {  	_ = 	snop  }
0x6: {  	_ = 	snop  }
0x7: {  	_ = 	snop  }
__scs_overlays_trampoline_lowered:
0x8: {  	[smem:$0x3FA2] =	sst s0  }
0x9: {  	[smem:$0x3FA3] =	sst s1  }
0xa: {  	[smem:$0x3FA4] =	sst s2  }
0xb: {  	[smem:$0x3FA5] =	sst s3  }
0xc: {  	[smem:$0x3FA6] =	sst s4  }
0xd: {  	[smem:$0x3FA7] =	sst s5  }
0xe: {  	[smem:$0x3FA8] =	sst s6  }
0xf: {  	[smem:$0x3FA9] =	sst s7  }
0x10: {  	[smem:$0x3FAA] =	sst s8  }
0x11: {  	[smem:$0x3FAB] =	sst s9;
	s0 =	simm.s32 @!p0 $0x0  }
0x12: {  	s1 =	sld [smem:$0x3F91];
	s0 =	simm.s32 @p0 $0x1  }
0x13: {  	[smem:$0x3FAC] =	sst s0;
	s0 =	simm.s32 @!p1 $0x0  }
0x14: {  	s2 =	sld [smem:$0x3F90];
	s0 =	simm.s32 @p1 $0x1  }
0x15: {  	[smem:$0x3FAD] =	sst s0;
	s0 =	simm.s32 @!p2 $0x0  }
0x16: {  	s3 =	sld [smem:$0x3FDB];
	s0 =	simm.s32 @p2 $0x1  }
0x17: {  	s4 =	simm.s32 $0x1BF5;
	[smem:$0x3FAF] =	sst s0  }
0x18: {  	s0 =	sld [smem:$0x3F92];
	_ =	swait.ge [sflag:s4], $0x0  }
0x19: {  	s7 =	sld [smem:$0x3F93]  }
0x1a: {  	s8 =	sadd.s32 $0xFFFFE003, lr  }
0x1b: {  	s9 =	sadd.s32 $0xFFFFFEF7, lr;
	s5 =	simm.s32 $0xFFFFFFFF;
	p2 =	slt.u32 s8, $0xFFFFF086  }
0x1c: {  	p1 =	slt.u32 s9, $0xF7A;
	s5 =	simm.s32 @!p2 $0x0  }
0x1d: {  	s5 =	simm.s32 @p1 $0x1;
	p0 =	seq.s32 s7, s2  }
0x1e: {  	s7 =	smul.u32 @!p0 $0xF7A, s2;
	p2 =	seq.s32 @!p0 s5, $0x0  }
0x1f: {  	s9 =	smul.u32 $0xF7A, s1;
	s8 =	simm.s32 @!p0 $0x1BF5;
	p2 =	por !p2, p0  }
0x20: {  	[sflag:s8] =	ssyncset.s32 @!p0 $0xFFFFF086;
	s6 =	sadd.s32 @!p0 s3, s7;
	s7 =	simm.s32 @!p0 $0x108  }
0x21: {  	s3 =	sadd.s32 s3, s9;
	s6 =	sadd.s32 @!p0 $0x88, s6;
	s7 =	simm.s32 @p2 $0x1082  }
0x22: {  	[simem:s7], [sflag:s8] =	dma.local @!p0 [hbm:s6], $0xF7A  }
0x23: {  	s9 =	sor.u32 $0xD0000000, s2;
	s6 =	simm.s32 $0x108;
	_ =	swait.ge @!p0 [sflag:s8], $0x0  }
0x24: {  	s3 =	sadd.s32 $0x88, s3;
	s6 =	simm.s32 @!p1 $0x1082;
	[sflag:s4] =	ssyncset.s32 $0xFFFFF086  }
0x25: {  	[simem:s6], [sflag:s4] =	dma.local [hbm:s3], $0xF7A  }
0x26: {  	[smem:$0x3F93] =	sst s1;
	(tag) =	ssettag s2;
	_ =	strace s9  }
0x27: {  	s1 =	sld [smem:$0x3FA3]  }
0x28: {  	s2 =	sld [smem:$0x3FA4]  }
0x29: {  	s4 =	sld [smem:$0x3FA6]  }
0x2a: {  	p0 =	seq.s32 s5, $0x0;
	s5 =	sld [smem:$0x3FA7]  }
0x2b: {  	s6 =	sld [smem:$0x3FA8]  }
0x2c: {  	s7 =	sld [smem:$0x3FA9]  }
0x2d: {  	s3 =	simm.s32 $0x108;
	s8 =	sld [smem:$0x3FAA]  }
0x2e: {  	s3 =	simm.s32 @!p0 $0x1082;
	s9 =	sld [smem:$0x3FAB]  }
0x2f: {  	lr =	sadd.s32 s0, s3;
	s0 =	sld [smem:$0x3FA2]  }
0x30: {  	s3 =	sld [smem:$0x3FA5]  }
0x31: {  	[smem:$0x3FAE] =	sst s10  }
0x32: {  	s10 =	sld [smem:$0x3FAC];
	_ =	sdelay $0x3  }
0x33: {  	p0 =	seq.s32 s10, $0x1;
	s10 =	sld [smem:$0x3FAE];
	_ =	sdelay $0x3  }
0x34: {  	[smem:$0x3FAE] =	sst s10  }
0x35: {  	s10 =	sld [smem:$0x3FAD];
	_ =	sdelay $0x3  }
0x36: {  	p1 =	seq.s32 s10, $0x1;
	s10 =	sld [smem:$0x3FAE];
	_ =	sdelay $0x3  }
0x37: {  	[smem:$0x3FAE] =	sst s10  }
0x38: {  	s10 =	sld [smem:$0x3FAF]  }
0x39: {  	_ = 	snop;
	(pc) =	sbr.ind lr, $3  }
0x3a: {  	_ = 	snop  }
0x3b: {  	_ = 	snop  }
0x3c: {  	p2 =	seq.s32 s10, $0x1;
	s10 =	sld [smem:$0x3FAE]  }
0x3d: {  	_ =	shalt  }
0x3e: {  	_ =	shalt  }
0x3f: {  	_ =	shalt  }
0x40: {  	_ =	shalt  }
0x41: {  	_ =	shalt  }
0x42: {  	_ =	shalt  }
0x43: {  	_ =	shalt  }
0x44: {  	_ =	shalt  }
0x45: {  	_ =	shalt  }
0x46: {  	_ =	shalt  }
0x47: {  	_ =	shalt  }
0x48: {  	_ =	shalt  }
0x49: {  	_ =	shalt  }
0x4a: {  	_ =	shalt  }
0x4b: {  	_ =	shalt  }
0x4c: {  	_ =	shalt  }
0x4d: {  	_ =	shalt  }
0x4e: {  	_ =	shalt  }
0x4f: {  	_ =	shalt  }
0x50: {  	_ =	shalt  }
0x51: {  	_ =	shalt  }
0x52: {  	_ =	shalt  }
0x53: {  	_ =	shalt  }
0x54: {  	_ =	shalt  }
0x55: {  	_ =	shalt  }
0x56: {  	_ =	shalt  }
0x57: {  	_ =	shalt  }
0x58: {  	_ =	shalt  }
0x59: {  	_ =	shalt  }
0x5a: {  	_ =	shalt  }
0x5b: {  	_ =	shalt  }
0x5c: {  	_ =	shalt  }
0x5d: {  	_ =	shalt  }
0x5e: {  	_ =	shalt  }
0x5f: {  	_ =	shalt  }
0x60: {  	_ =	shalt  }
0x61: {  	_ =	shalt  }
0x62: {  	_ =	shalt  }
0x63: {  	_ =	shalt  }
0x64: {  	_ =	shalt  }
0x65: {  	_ =	shalt  }
0x66: {  	_ =	shalt  }
0x67: {  	_ =	shalt  }
0x68: {  	_ =	shalt  }
0x69: {  	_ =	shalt  }
0x6a: {  	_ =	shalt  }
0x6b: {  	_ =	shalt  }
0x6c: {  	_ =	shalt  }
0x6d: {  	_ =	shalt  }
0x6e: {  	_ =	shalt  }
0x6f: {  	_ =	shalt  }
0x70: {  	_ =	shalt  }
0x71: {  	_ =	shalt  }
0x72: {  	_ =	shalt  }
0x73: {  	_ =	shalt  }
0x74: {  	_ =	shalt  }
0x75: {  	_ =	shalt  }
0x76: {  	_ =	shalt  }
0x77: {  	_ =	shalt  }
0x78: {  	_ =	shalt  }
0x79: {  	_ =	shalt  }
0x7a: {  	_ =	shalt  }
0x7b: {  	_ =	shalt  }
0x7c: {  	_ =	shalt  }
0x7d: {  	_ =	shalt  }
0x7e: {  	_ =	shalt  }
0x7f: {  	_ =	shalt  }
0x80: {  	_ =	shalt  }
0x81: {  	_ =	shalt  }
0x82: {  	_ =	shalt  }
0x83: {  	_ =	shalt  }
0x84: {  	_ =	shalt  }
0x85: {  	_ =	shalt  }
0x86: {  	_ =	shalt  }
0x87: {  	_ =	shalt  }
.Lfunc_end0:
.L_simem_size_0:
called_computation_lowered:
.L_overlay_start_0:
0x88: {  	s2 =	sld [smem:$0x3FD9]  }
0x89: {  	s3 =	sld [smem:$0x3FFE];
	_ =	sdelay $0x1  }
0x8a: {  	s1 =	srdreg.scid  }
0x8b: {  	s0 =	sand.u32 $0x1, s1  }
0x8c: {  	s14 =	sshll.u32 s0, $0xA;
	s2 =	sadd.s32 s3, s2  }
0x8d: {  	s2 =	sadd.s32 s2, s14  }
0x8e: {  	[smem:$0x3FBA] =	sst s2  }
0x8f: {  	_ = 	snop  }
0x90: {  	s2 =	sld [smem:$0x3FD0];
	_ =	sdelay $0x2  }
0x91: {  	s15 =	simm.s32 $0xA;
	s4 =	simm.s32 $0x10  }
0x92: {  	[smem:s4], [sflag:s15] =	dma.local [hbm:s2], $0x1  }
0x93: {  	_ =	swait.eq [sflag:s15], $0x1  }
0x94: {  	[sflag:s15] =	ssyncset.done $0x0  }
0x95: {  	s16 =	sld [smem:$0x10];
	[sflag:s15] =	ssyncadd.s32 $0xFFFFFFFF  }
0x96: {  	s17 =	sld [smem:$0x11];
	(tm) =	ssettm $0x1  }
0x97: {  	s18 =	sld [smem:$0x3FFB];
	_ =	sdelay $0x3  }
0x98: {  	_ =	strace s18  }
0x99: {  	s4 =	sld [smem:$0x3FFC];
	_ =	sdelay $0x3  }
0x9a: {  	_ =	strace s4  }
0x9b: {  	s4 =	sld [smem:$0x3FFD];
	_ =	sdelay $0x3  }
0x9c: {  	_ =	strace s4  }
0x9d: {  	_ =	strace $0x8FFFFFFF  }
0x9e: {  	s19 =	sld [smem:$0x3FDB];
	_ =	sdelay $0x1  }
0x9f: {  	s5 =	simm.s32 $_scs_section_size  }
0xa0: {  	s6 =	simm.s32 $_size__tile_overlayer_lowered;
	s7 =	simm.s32 $_tile_overlayer_lowered  }
0xa1: {  	s22 =	simm.s32 $0x1BFF;
	s21 =	sshll.u32 s7, $0x1;
	s4 =	sadd.s32 s5, s19  }
0xa2: {  	s8 =	simm.s32 $0x0;
	s20 =	sshll.u32 s6, $0x1;
	s6 =	sadd.s32 s21, s4  }
0xa3: {  	[timem:s8], [sflag:s22] =	dma.local [hbm:s6], s20  }
0xa4: {  	_ =	swait.ge [sflag:s22], s20  }
0xa5: {  	s5 =	ssub.s32 $0x0, s20;
	[sflag:s22] =	ssyncset.done $0x0  }
0xa6: {  	[sflag:s22] =	ssyncadd.s32 s5;
	_ =	sdelay $0x1  }
0xa7: {  	s23 =	simm.s32 $0x1B8B  }
0xa8: {  	_ =	swait.ge [sflag:s23], $0x1  }
0xa9: {  	[sflag:s23] =	ssyncset.done $0x0  }
0xaa: {  	s25 =	simm.s32 $0x1B8E;
	s24 =	sld [smem:$0x3FFE];
	[sflag:s23] =	ssyncadd.s32 $0xFFFFFFFF  }
0xab: {  	s26 =	simm.s32 $execute0_lowered;
	[smem:$0x3FD2] =	sst s25  }
0xac: {  	s6 =	sshll.u32 s26, $0x1;
	_ =	strace $0x80000046;
	[dreg:$0x1] =	wrdreg $0xFFFFFFFF  }
0xad: {  	s28 =	simm.s32 $_size_execute0_lowered;
	s4 =	sadd.s32 s4, s6;
	[dreg:$0x0] =	wrdreg $0x0  }
0xae: {  	s6 =	sshll.u32 s28, $0x1;
	[dreg:$0x2] =	wrdreg s4  }
0xaf: {  	[dreg:$0x3] =	wrdreg s6  }
0xb0: {  	[dreg:$0x4] =	wrdreg $0xC0  }
0xb1: {  	_ =	task [dreg:s8], $0x5FFFF  }
0xb2: {  	[dreg:$0x1] =	wrdreg $0xFFFFFFFF  }
0xb3: {  	[dreg:$0x0] =	wrdreg $0x60  }
0xb4: {  	[dreg:$0x2] =	wrdreg s17  }
0xb5: {  	[dreg:$0x3] =	wrdreg s24  }
0xb6: {  	[dreg:$0x4] =	wrdreg s16  }
0xb7: {  	[dreg:$0x5] =	wrdreg $0x9  }
0xb8: {  	_ =	task.clear_ibuf [dreg:s8], $0x6FFFF;
	_ =	strace $0x90000046  }
0xb9: {  	s29 =	simm.s32 $0x9;
	_ =	strace $0x80000048  }
0xba: {  	_ =	swait.ge [sflag:s29], $0x1  }
0xbb: {  	[sflag:s29] =	ssyncadd.s32 $0xFFFFFFFF  }
0xbc: {  	_ =	strace $0x90000048  }
0xbd: {  	_ =	sfence  }
0xbe: {  	s30 =	sld [smem:$0x0];
	_ =	sdelay $0x2  }
0xbf: {  	s31 =	sshll.u32 s1, $0xD;
	s1 =	sshrl.u32 s1, $0x2  }
0xc0: {  	s3 =	sand.u32 $0x4000, s31;
	s1 =	sadd.s32 s1, s30  }
0xc1: {  	s0 =	sor.u32 s3, s0;
	s1 =	sshll.u32 s1, $0x11  }
0xc2: {  	s0 =	sor.u32 s1, s0  }
0xc3: {  	s0 =	sadd.s32 $0x8F2B, s0  }
0xc4: {  	[sflag:s0] =	ssyncadd.remote.s32 $0x1  }
0xc5: {  	_ =	sfence.sel $0xFFFF  }
0xc6: {  	[dreg:$0x0] =	wrdreg $0xFFFFFFFF;
	(pc) =	sbr.abs _section_cstart, $3  }
0xc7: {  	[dreg:$0x1] =	wrdreg $0xFFFFFFFF  }
0xc8: {  	_ =	task.clear_ibuf [dreg:s8], $0x2FFFF;
	_ =	strace $0x9FFFFFFF  }
0xc9: {  	(tm) =	ssettm $0x7FFFFFFF  }
tec
execute0_lowered:
.L_overlay_start_1:
0x0: {  	(tag) =	ssettag $0x1  }
0x1: {  	s0 =	rddreg [dreg:$0x0]  }
0x2: {  	s1 =	srdreg.scid;
	s2 =	rddreg [dreg:$0x1]  }
0x3: {  	s5 =	stileid.u32;
	s3 =	simm.s32 $0x0;
	s9 =	simm.s32 $0x3200  }
0x4: {  	s10 =	simm.s32 $0x1;
	s11 =	simm.s32 $0x4200;
	s12 =	simm.s32 $0x5200  }
0x5: {  	s13 =	simm.s32 $0x6200;
	s14 =	simm.s32 $0x7200;
	s15 =	simm.s32 $0x8200  }
0x6: {  	s16 =	simm.s32 $0x9200;
	s17 =	simm.s32 $0xA200;
	s18 =	simm.s32 $0xB200  }
0x7: {  	s19 =	simm.s32 $0xC200;
	s20 =	simm.s32 $0xD200;
	s21 =	simm.s32 $0xE200  }
0x8: {  	s22 =	simm.s32 $0xF200;
	s23 =	simm.s32 $0x10200;
	s1 =	sand.u32 $0x1, s1  }
0x9: {  	s24 =	simm.s32 $0x11200;
	s25 =	simm.s32 $0x12200;
	s4 =	sshll.u32 s1, $0x4  }
0xa: {  	s26 =	simm.s32 $0x13200;
	[smem:$0x7FF] =	sst s3;
	s6 =	sor.u32 s5, s4  }
0xb: {  	s28 =	simm.s32 $0x0;
	_ =	strace $0x80000047;
	s5 =	smul.u32 $0x2200, s6  }
0xc: {  	s1 =	ssub.s32 $0x2, s1;
	s4 =	sadd.s32 $0x2200, s2;
	s7 =	sshll.u32 s6, $0x9  }
0xd: {  	s30 =	sshrl.u32 s1, $0x1;
	s0 =	sadd.s32 s0, s7;
	s2 =	sadd.s32 s5, s2  }
0xe: {  	s1 =	ssub.s32 s1, s30;
	[dreg:$0x4] =	wrdreg s0;
	s31 =	sadd.s32 $0x46200, s2  }
0xf: {  	s6 =	sshll.u32 s6, $0x3;
	s8 =	smax.u32 s1, $0x1;
	[dreg:$0x5] =	wrdreg s31  }
.LBB2_1:
0x10: {  	s0 =	rddreg [dreg:$0x2]  }
0x11: {  	[tilespmem:s9], [sflag:$0x1] =	stream.linear.gather [hbm4b:s0+s3], $0x11000, $0x38;
	[tilespmem:$0x14200] =	vst v63  }
0x12: {  	_ =	swait.ge [sflag:s10], $0x11000  }
0x13: {  	[sflag:s10] =	ssyncset.done $0x0  }
0x14: {  	s31 =	rddreg [dreg:$0x4];
	[sflag:s10] =	ssyncadd.s32 $0xFFFEF000  }
0x15: {  	[tilespmem:s3], [sflag:$0x1] =	stream.linear.gather [hbm4b:s31+s3], $0x1000, $0x38;
	[tilespmem:$0x14200] =	vst v63  }
0x16: {  	_ =	swait.ge [sflag:s10], $0x1000  }
0x17: {  	[sflag:s10] =	ssyncset.done $0x0  }
0x18: {  	s29 =	simm.s32 $0x0;
	[sflag:s10] =	ssyncadd.s32 $0xFFFFF000  }
.LBB2_2:
0x19: {  	s0 =	sadd.s32 s6, s29  }
0x1a: {  	s0 =	smul.u32 $0x440, s0  }
0x1b: {  	s1 =	simm.s32 $0x0  }
0x1c: {  	s30 =	simm.s32 $0x1000;
	s5 =	sshll.u32 s29, $0x9;
	s0 =	sadd.s32 s4, s0  }
0x1d: {  	[tilespmem:s30], [sflag:$0x1] =	stream.linear.gather [hbm4b:s0+s1], $0x2200, $0x38;
	[tilespmem:$0x14200] =	vst v63  }
0x1e: {  	s31 =	sand.u32 $0x3FFFFE00, s5;
	s7 =	sand.u32 $0x180, s1;
	_ =	swait.ge [sflag:s10], $0x2200  }
0x1f: {  	s2 =	sadd.s32 s7, s31;
	s1 =	sand.u32 $0x70, s1;
	[sflag:s10] =	ssyncset.done $0x0  }
0x20: {  	s2 =	sadd.s32 s1, s2;
	[sflag:s10] =	ssyncadd.s32 $0xFFFFDE00  }
0x21: {  	v0 =	vld [tilespmem:s2+$0x0];
	_ =	sdelay $0x2  }
0x22: {  	v1 =	vld [tilespmem:s30+$0x0];
	_ =	sdelay $0x4  }
0x23: {  	s1 =	sor.u32 s1, s7;
	[tilespmem:v0+s9+$0x0] =	vst.idx.add.f32.msk $0xffff, v1  }
0x24: {  	v1 =	vld [tilespmem:s1+$0x1200];
	_ =	sdelay $0x4  }
0x25: {  	[tilespmem:v0+s11+$0x0] =	vst.idx.add.f32.msk $0xffff, v1  }
0x26: {  	v1 =	vld [tilespmem:s1+$0x1400];
	_ =	sdelay $0x4  }
0x27: {  	[tilespmem:v0+s12+$0x0] =	vst.idx.add.f32.msk $0xffff, v1  }
0x28: {  	v1 =	vld [tilespmem:s1+$0x1600];
	_ =	sdelay $0x4  }
0x29: {  	[tilespmem:v0+s13+$0x0] =	vst.idx.add.f32.msk $0xffff, v1  }
0x2a: {  	v1 =	vld [tilespmem:s1+$0x1800];
	_ =	sdelay $0x4  }
0x2b: {  	[tilespmem:v0+s14+$0x0] =	vst.idx.add.f32.msk $0xffff, v1  }
0x2c: {  	v1 =	vld [tilespmem:s1+$0x1A00];
	_ =	sdelay $0x4  }
0x2d: {  	[tilespmem:v0+s15+$0x0] =	vst.idx.add.f32.msk $0xffff, v1  }
0x2e: {  	v1 =	vld [tilespmem:s1+$0x1C00];
	_ =	sdelay $0x4  }
0x2f: {  	[tilespmem:v0+s16+$0x0] =	vst.idx.add.f32.msk $0xffff, v1  }
0x30: {  	v1 =	vld [tilespmem:s1+$0x1E00];
	_ =	sdelay $0x4  }
0x31: {  	[tilespmem:v0+s17+$0x0] =	vst.idx.add.f32.msk $0xffff, v1  }
0x32: {  	v1 =	vld [tilespmem:s1+$0x2000];
	_ =	sdelay $0x4  }
0x33: {  	[tilespmem:v0+s18+$0x0] =	vst.idx.add.f32.msk $0xffff, v1  }
0x34: {  	v1 =	vld [tilespmem:s1+$0x2200];
	_ =	sdelay $0x4  }
0x35: {  	[tilespmem:v0+s19+$0x0] =	vst.idx.add.f32.msk $0xffff, v1  }
0x36: {  	v1 =	vld [tilespmem:s1+$0x2400];
	_ =	sdelay $0x4  }
0x37: {  	[tilespmem:v0+s20+$0x0] =	vst.idx.add.f32.msk $0xffff, v1  }
0x38: {  	v1 =	vld [tilespmem:s1+$0x2600];
	_ =	sdelay $0x4  }
0x39: {  	[tilespmem:v0+s21+$0x0] =	vst.idx.add.f32.msk $0xffff, v1  }
0x3a: {  	v1 =	vld [tilespmem:s1+$0x2800];
	_ =	sdelay $0x4  }
0x3b: {  	[tilespmem:v0+s22+$0x0] =	vst.idx.add.f32.msk $0xffff, v1  }
0x3c: {  	v1 =	vld [tilespmem:s1+$0x2A00];
	_ =	sdelay $0x4  }
0x3d: {  	[tilespmem:v0+s23+$0x0] =	vst.idx.add.f32.msk $0xffff, v1  }
0x3e: {  	v1 =	vld [tilespmem:s1+$0x2C00];
	_ =	sdelay $0x4  }
0x3f: {  	[tilespmem:v0+s24+$0x0] =	vst.idx.add.f32.msk $0xffff, v1  }
0x40: {  	v1 =	vld [tilespmem:s1+$0x2E00];
	_ =	sdelay $0x4  }
0x41: {  	[tilespmem:v0+s25+$0x0] =	vst.idx.add.f32.msk $0xffff, v1  }
0x42: {  	v1 =	vld [tilespmem:s1+$0x3000];
	_ =	sdelay $0x1  }
0x43: {  	s0 =	simm.s32 $0x10  }
0x44: {  	s2 =	sand.u32 $0x180, s0;
	s1 =	simm.s32 $0x20  }
.LBB2_3:
0x45: {  	p0 =	sne.s32 s1, $0x1F0;
	s5 =	sand.u32 $0x70, s0;
	s0 =	sadd.s32 s2, s31  }
0x46: {  	s7 =	sadd.s32 s5, s0;
	[tilespmem:v0+s26+$0x0] =	vst.idx.add.f32.msk $0xffff, v1;
	s0 =	smov.u32 s1  }
0x47: {  	s30 =	sadd.s32 $0x10, s30;
	v0 =	vld [tilespmem:s7+$0x0]  }
0x48: {  	v1 =	vld [tilespmem:s30+$0x0];
	_ =	sdelay $0x6  }
0x49: {  	s2 =	sor.u32 s5, s2;
	[tilespmem:v0+s9+$0x0] =	vst.idx.add.f32.msk $0xffff, v1  }
0x4a: {  	v1 =	vld [tilespmem:s2+$0x1200];
	_ =	sdelay $0x4  }
0x4b: {  	[tilespmem:v0+s11+$0x0] =	vst.idx.add.f32.msk $0xffff, v1  }
0x4c: {  	v1 =	vld [tilespmem:s2+$0x1400];
	_ =	sdelay $0x4  }
0x4d: {  	[tilespmem:v0+s12+$0x0] =	vst.idx.add.f32.msk $0xffff, v1  }
0x4e: {  	v1 =	vld [tilespmem:s2+$0x1600];
	_ =	sdelay $0x4  }
0x4f: {  	[tilespmem:v0+s13+$0x0] =	vst.idx.add.f32.msk $0xffff, v1  }
0x50: {  	v1 =	vld [tilespmem:s2+$0x1800];
	_ =	sdelay $0x4  }
0x51: {  	[tilespmem:v0+s14+$0x0] =	vst.idx.add.f32.msk $0xffff, v1  }
0x52: {  	v1 =	vld [tilespmem:s2+$0x1A00];
	_ =	sdelay $0x4  }
0x53: {  	[tilespmem:v0+s15+$0x0] =	vst.idx.add.f32.msk $0xffff, v1  }
0x54: {  	v1 =	vld [tilespmem:s2+$0x1C00];
	_ =	sdelay $0x4  }
0x55: {  	[tilespmem:v0+s16+$0x0] =	vst.idx.add.f32.msk $0xffff, v1  }
0x56: {  	v1 =	vld [tilespmem:s2+$0x1E00];
	_ =	sdelay $0x4  }
0x57: {  	[tilespmem:v0+s17+$0x0] =	vst.idx.add.f32.msk $0xffff, v1  }
0x58: {  	v1 =	vld [tilespmem:s2+$0x2000];
	_ =	sdelay $0x4  }
0x59: {  	[tilespmem:v0+s18+$0x0] =	vst.idx.add.f32.msk $0xffff, v1  }
0x5a: {  	v1 =	vld [tilespmem:s2+$0x2200];
	_ =	sdelay $0x4  }
0x5b: {  	[tilespmem:v0+s19+$0x0] =	vst.idx.add.f32.msk $0xffff, v1  }
0x5c: {  	v1 =	vld [tilespmem:s2+$0x2400];
	_ =	sdelay $0x4  }
0x5d: {  	[tilespmem:v0+s20+$0x0] =	vst.idx.add.f32.msk $0xffff, v1  }
0x5e: {  	v1 =	vld [tilespmem:s2+$0x2600];
	_ =	sdelay $0x4  }
0x5f: {  	[tilespmem:v0+s21+$0x0] =	vst.idx.add.f32.msk $0xffff, v1  }
0x60: {  	v1 =	vld [tilespmem:s2+$0x2800];
	_ =	sdelay $0x4  }
0x61: {  	[tilespmem:v0+s22+$0x0] =	vst.idx.add.f32.msk $0xffff, v1  }
0x62: {  	v1 =	vld [tilespmem:s2+$0x2A00];
	_ =	sdelay $0x4  }
0x63: {  	[tilespmem:v0+s23+$0x0] =	vst.idx.add.f32.msk $0xffff, v1  }
0x64: {  	v1 =	vld [tilespmem:s2+$0x2C00];
	_ =	sdelay $0x4  }
0x65: {  	[tilespmem:v0+s24+$0x0] =	vst.idx.add.f32.msk $0xffff, v1  }
0x66: {  	v1 =	vld [tilespmem:s2+$0x2E00];
	_ =	sdelay $0x4  }
.Ltmp0:
0x67: {  	[tilespmem:v0+s25+$0x0] =	vst.idx.add.f32.msk $0xffff, v1;
	(pc) =	sbr.rel @p0 .LBB2_3-.Ltmp0, $2  }
0x68: {  	v1 =	vld [tilespmem:s2+$0x3000];
	_ =	sdelay $0x2  }
0x69: {  	s1 =	sadd.s32 $0x10, s1;
	s2 =	sand.u32 $0x180, s0  }
0x6a: {  	_ =	sdelay $0x2  }
0x6b: {  	s0 =	sand.u32 $0x70, s0;
	s1 =	sadd.s32 s2, s31  }
0x6c: {  	s1 =	sadd.s32 s0, s1;
	[tilespmem:v0+s26+$0x0] =	vst.idx.add.f32.msk $0xffff, v1  }
0x6d: {  	v0 =	vld [tilespmem:s1+$0x0];
	_ =	sdelay $0x1  }
0x6e: {  	s31 =	sadd.s32 $0x10, s30  }
0x6f: {  	v1 =	vld [tilespmem:s31+$0x0];
	_ =	sdelay $0x4  }
0x70: {  	s0 =	sor.u32 s0, s2;
	[tilespmem:v0+s9+$0x0] =	vst.idx.add.f32.msk $0xffff, v1  }
0x71: {  	v1 =	vld [tilespmem:s0+$0x1200];
	_ =	sdelay $0x4  }
0x72: {  	[tilespmem:v0+s11+$0x0] =	vst.idx.add.f32.msk $0xffff, v1  }
0x73: {  	v1 =	vld [tilespmem:s0+$0x1400];
	_ =	sdelay $0x4  }
0x74: {  	[tilespmem:v0+s12+$0x0] =	vst.idx.add.f32.msk $0xffff, v1  }
0x75: {  	v1 =	vld [tilespmem:s0+$0x1600];
	_ =	sdelay $0x4  }
0x76: {  	[tilespmem:v0+s13+$0x0] =	vst.idx.add.f32.msk $0xffff, v1  }
0x77: {  	v1 =	vld [tilespmem:s0+$0x1800];
	_ =	sdelay $0x4  }
0x78: {  	[tilespmem:v0+s14+$0x0] =	vst.idx.add.f32.msk $0xffff, v1  }
0x79: {  	v1 =	vld [tilespmem:s0+$0x1A00];
	_ =	sdelay $0x4  }
0x7a: {  	[tilespmem:v0+s15+$0x0] =	vst.idx.add.f32.msk $0xffff, v1  }
0x7b: {  	v1 =	vld [tilespmem:s0+$0x1C00];
	_ =	sdelay $0x4  }
0x7c: {  	[tilespmem:v0+s16+$0x0] =	vst.idx.add.f32.msk $0xffff, v1  }
0x7d: {  	v1 =	vld [tilespmem:s0+$0x1E00];
	_ =	sdelay $0x4  }
0x7e: {  	[tilespmem:v0+s17+$0x0] =	vst.idx.add.f32.msk $0xffff, v1  }
0x7f: {  	v1 =	vld [tilespmem:s0+$0x2000];
	_ =	sdelay $0x4  }
0x80: {  	[tilespmem:v0+s18+$0x0] =	vst.idx.add.f32.msk $0xffff, v1  }
0x81: {  	v1 =	vld [tilespmem:s0+$0x2200];
	_ =	sdelay $0x4  }
0x82: {  	[tilespmem:v0+s19+$0x0] =	vst.idx.add.f32.msk $0xffff, v1  }
0x83: {  	v1 =	vld [tilespmem:s0+$0x2400];
	_ =	sdelay $0x4  }
0x84: {  	[tilespmem:v0+s20+$0x0] =	vst.idx.add.f32.msk $0xffff, v1  }
0x85: {  	v1 =	vld [tilespmem:s0+$0x2600];
	_ =	sdelay $0x4  }
0x86: {  	[tilespmem:v0+s21+$0x0] =	vst.idx.add.f32.msk $0xffff, v1  }
0x87: {  	v1 =	vld [tilespmem:s0+$0x2800];
	_ =	sdelay $0x4  }
0x88: {  	[tilespmem:v0+s22+$0x0] =	vst.idx.add.f32.msk $0xffff, v1  }
0x89: {  	v1 =	vld [tilespmem:s0+$0x2A00];
	_ =	sdelay $0x4  }
0x8a: {  	[tilespmem:v0+s23+$0x0] =	vst.idx.add.f32.msk $0xffff, v1  }
0x8b: {  	v1 =	vld [tilespmem:s0+$0x2C00];
	_ =	sdelay $0x4  }
0x8c: {  	[tilespmem:v0+s24+$0x0] =	vst.idx.add.f32.msk $0xffff, v1  }
0x8d: {  	v1 =	vld [tilespmem:s0+$0x2E00];
	_ =	sdelay $0x4  }
0x8e: {  	s29 =	sadd.s32 $0x1, s29;
	[tilespmem:v0+s25+$0x0] =	vst.idx.add.f32.msk $0xffff, v1  }
0x8f: {  	p0 =	sne.s32 s29, $0x8;
	v1 =	vld [tilespmem:s0+$0x3000]  }
.Ltmp1:
0x90: {  	_ = 	snop;
	(pc) =	sbr.rel @p0 .LBB2_2-.Ltmp1, $2  }
0x91: {  	_ =	sdelay $0x2  }
0x92: {  	[tilespmem:v0+s26+$0x0] =	vst.idx.add.f32.msk $0xffff, v1  }
0x93: {  	s28 =	sadd.s32 $0x1, s28  }
0x94: {  	p0 =	sne.s32 s28, s8  }
.Ltmp2:
0x95: {  	s0 =	rddreg [dreg:$0x5];
	(pc) =	sbr.rel @p0 .LBB2_1-.Ltmp2, $4  }
0x96: {  	[hbm4b:s0+s3] =	stream.linear.scatter [tilespmem:s9], [sflag:$0x1], $0x11000, $0x38;
	[tilespmem:$0x14200] =	vst v63  }
0x97: {  	_ =	swait.ge [sflag:s10], $0x11000  }
0x98: {  	[sflag:s10] =	ssyncset.done $0x0  }
0x99: {  	[sflag:s10] =	ssyncadd.s32 $0xFFFEF000  }
0x9a: {  	_ =	sfence.sel $0x180000  }
0x9b: {  	[bflag:$0x0] =	sbarrier.arrive $0xFFFF  }
0x9c: {  	_ =	strace $0x90000047  }
0x9d: {  	s0 =	stileid.u32;
	[bflag:$0x2] =	sbarrier.arrive $0xFFFF  }
0x9e: {  	p0 =	sne.s32 s0, $0x0;
	s0 =	rddreg [dreg:$0x3]  }
0x9f: {  	s0 =	sadd.s32 @!p0 $0x100000, s0  }
0xa0: {  	[sflag:s0] =	ssyncadd.tile.s32 @!p0 $0x1;
	_ =	shalt  }
.Lfunc_end2:
_tile_overlayer_lowered:
.L_overlay_start_2:
0xa1: {  	(tag) =	ssettag $0x2  }
0xa2: {  	s0 =	rddreg [dreg:$0x0];
	s2 =	stileid.u32  }
0xa3: {  	s1 =	rddreg [dreg:$0x1];
	p0 =	sne.s32 s2, $0x0  }
0xa4: {  	s3 =	rddreg [dreg:$0x2];
	[bflag:$0x3] =	sbarrier.arrive $0xFFFF;
	s2 =	simm.s32 @!p0 $0x1C01  }
0xa5: {  	[timem:s3], [sflag:s2] =	dma.local @!p0 [hbm:s0], s1  }
0xa6: {  	s0 =	simm.s32 @!p0 $0x1  }
0xa7: {  	_ =	swait.ge @!p0 [sflag:s0], s1  }
0xa8: {  	s1 =	ssub.s32 @!p0 $0x0, s1;
	[sflag:s0] =	ssyncset.done @!p0 $0x0  }
0xa9: {  	[sflag:s0] =	ssyncadd.s32 @!p0 s1  }
0xaa: {  	[bflag:$0x3] =	sbarrier.arrive $0xFFFF  }
0xab: {  	_ =	shalt  }

</sc_bundles>
